<compile_context>
chip_gen: v7x
topology: tpu7x:2x2x1
jax: 0.10.2.dev20260603
libtpu: 0.0.44.dev20260713+nightly
codegen_flags: <defaults>
</compile_context>

<pallas_src>
import functools

import jax
import jax.numpy as jnp
from jax import lax
from jax.experimental import pallas as pl
from jax.experimental.pallas import tpu as pltpu
from jax.experimental.pallas import tpu_sc as plsc

N = 8192
D = 128
DIM = 2048
NC = 2
NS = 16
NW = NC * NS
ROWS_PER_TILE = N // NW
NODES_PER_TILE = DIM // NW
PAD_ROWS = 8
ZERO_ROW = N
NSTAGE = 13
LANES = 16

_PREC = jax.lax.Precision.DEFAULT


def _dot_t(a, m):
    return jax.lax.dot_general(a, m, (((1,), (1,)), ((), ())),
                               preferred_element_type=jnp.float32,
                               precision=_PREC)


SHIFT_PAD = N // 2


def _tc_scan_body(msgs_ref, idxp_ref, w_ref, b_ref, xpad_ref,
                  xbuf, ibuf, m_scr):
    w = w_ref[...]
    m_scr[...] = w
    ibuf[pl.ds(0, SHIFT_PAD), :] = jnp.full((SHIFT_PAD, D), -1.0, jnp.float32)
    ibuf[pl.ds(SHIFT_PAD, N), :] = idxp_ref[...]
    xbuf[0, pl.ds(SHIFT_PAD, N), :] = _dot_t(msgs_ref[...], w) + b_ref[...]

    def _cond(carry):
        k, p, cont = carry
        return (k < NSTAGE) & (cont == 1)

    def _stage(carry):
        k, p, cont = carry
        q = 1 - p
        s = jax.lax.shift_left(1, k)
        m = m_scr[...]
        d = ibuf[pl.ds(SHIFT_PAD, N), :] - ibuf[pl.ds(SHIFT_PAD - s, N), :]
        mask = jnp.abs(d) < 0.5
        x = xbuf[p, pl.ds(SHIFT_PAD, N), :]
        xs = xbuf[p, pl.ds(SHIFT_PAD - s, N), :]
        xm = jnp.where(mask, xs, jnp.zeros_like(xs))
        xbuf[q, pl.ds(SHIFT_PAD, N), :] = x + _dot_t(xm, m)
        m_scr[...] = jax.lax.dot_general(m, m, (((1,), (0,)), ((), ())),
                                         preferred_element_type=jnp.float32,
                                         precision=_PREC)
        return k + 1, q, jnp.max(jnp.where(mask, 1, 0))

    _, q, _ = jax.lax.while_loop(_cond, _stage, (0, 0, 1))
    xpad_ref[pl.ds(0, N), :] = xbuf[q, pl.ds(SHIFT_PAD, N), :]
    xpad_ref[pl.ds(N, PAD_ROWS), :] = jnp.zeros((PAD_ROWS, D), jnp.float32)


def _make_tc_scan(interpret=False):
  return pl.pallas_call(
    _tc_scan_body,
    interpret=interpret,
    out_shape=jax.ShapeDtypeStruct((N + PAD_ROWS, D), jnp.float32),
    scratch_shapes=[
        pltpu.VMEM((2, SHIFT_PAD + N, D), jnp.float32),
        pltpu.VMEM((SHIFT_PAD + N, D), jnp.float32),
        pltpu.VMEM((D, D), jnp.float32),
    ],
  )


_tc_scan = _make_tc_scan()


@functools.lru_cache(maxsize=None)
def _build_sc_gather():
    mesh = plsc.VectorSubcoreMesh(core_axis_name="c", subcore_axis_name="s")
    return functools.partial(
        pl.kernel,
        out_type=[
            jax.ShapeDtypeStruct((N, D), jnp.float32),
            jax.ShapeDtypeStruct((N,), jnp.int32),
        ],
        mesh=mesh,
        scratch_types=[
            pltpu.VMEM((ROWS_PER_TILE,), jnp.int32),
            pltpu.VMEM((ROWS_PER_TILE, D), jnp.float32),
            pltpu.VMEM((N,), jnp.int32),
            pltpu.VMEM((ROWS_PER_TILE,), jnp.int32),
            pltpu.SemaphoreType.DMA,
        ],
        compiler_params=pltpu.CompilerParams(needs_layout_passes=False),
    )(_sc_gather_body)


def _sc_gather_body(msg_hbm, order_hbm, index_hbm, msgs_hbm, idxs_hbm,
                    ord_v, rows_v, index_v, idxs_v, sem):
    wid = lax.axis_index("s") * NC + lax.axis_index("c")
    base = wid * ROWS_PER_TILE
    pltpu.sync_copy(order_hbm.at[pl.ds(base, ROWS_PER_TILE)], ord_v)
    copies = []
    for j in range(ROWS_PER_TILE // 128):
        copies.append(pltpu.async_copy(
            msg_hbm.at[ord_v.at[pl.ds(j * 128, 128)]],
            rows_v.at[pl.ds(j * 128, 128)], sem))
    pltpu.sync_copy(index_hbm, index_v)
    for g in range(ROWS_PER_TILE // LANES):
        o16 = ord_v[pl.ds(g * LANES, LANES)]
        idxs_v[pl.ds(g * LANES, LANES)] = plsc.load_gather(index_v, [o16])
    for c in copies:
        c.wait()
    pltpu.sync_copy(rows_v, msgs_hbm.at[pl.ds(base, ROWS_PER_TILE)])
    pltpu.sync_copy(idxs_v, idxs_hbm.at[pl.ds(base, ROWS_PER_TILE)])


@functools.lru_cache(maxsize=None)
def _build_sc_final():
    mesh = plsc.VectorSubcoreMesh(core_axis_name="c", subcore_axis_name="s")
    return functools.partial(
        pl.kernel,
        out_type=jax.ShapeDtypeStruct((DIM, D), jnp.float32),
        mesh=mesh,
        scratch_types=[
            pltpu.VMEM((N,), jnp.int32),
            pltpu.VMEM((NODES_PER_TILE,), jnp.int32),
            pltpu.VMEM((NODES_PER_TILE, D), jnp.float32),
            pltpu.SemaphoreType.DMA,
        ],
        compiler_params=pltpu.CompilerParams(needs_layout_passes=False),
    )(_sc_final_body)


def _sc_final_body(idxs_hbm, xpad_hbm, out_hbm, idx_v, fin_v, rows_v, sem):
    wid = lax.axis_index("s") * NC + lax.axis_index("c")
    base = wid * NODES_PER_TILE
    pltpu.sync_copy(idxs_hbm, idx_v)
    lane = lax.iota(jnp.int32, LANES)
    for g in range(NODES_PER_TILE // LANES):
        nid = base + g * LANES + lane
        lo = jnp.zeros((LANES,), jnp.int32)
        hi = jnp.full((LANES,), N, jnp.int32)
        for _ in range(NSTAGE):
            active = lo < hi
            mid = (lo + hi) >> 1
            midc = jnp.minimum(mid, jnp.full((LANES,), N - 1, jnp.int32))
            v = plsc.load_gather(idx_v, [midc])
            le = (v <= nid) & active
            gt = (v > nid) & active
            lo = jnp.where(le, mid + 1, lo)
            hi = jnp.where(gt, mid, hi)
        lp = lo - 1
        val = plsc.load_gather(idx_v, [jnp.maximum(lp, 0)])
        has = (lp >= 0) & (val == nid)
        fin_v[pl.ds(g * LANES, LANES)] = jnp.where(
            has, lp, jnp.full((LANES,), ZERO_ROW, jnp.int32))
    pltpu.async_copy(xpad_hbm.at[fin_v], rows_v, sem).wait()
    pltpu.sync_copy(rows_v, out_hbm.at[pl.ds(base, NODES_PER_TILE)])


def kernel(msg, index, t, dim_size, W, b):
    del dim_size
    order = jnp.lexsort((t, index)).astype(jnp.int32)
    msgs, idxs = _build_sc_gather()(msg, order, index.astype(jnp.int32))
    idxp = jnp.broadcast_to(idxs.astype(jnp.float32)[:, None], (N, D))
    xpad = _tc_scan(msgs, idxp, W, b.reshape(1, D))
    return _build_sc_final()(idxs, xpad)

# --- scband reference (transcript-rebuilt; emitter-appended) ---
"""Pipeline reference for scband-gruaggregator-78941498901090 (READ-ONLY COPY).

The authoritative reference and input builder live on the scoring server;
editing this copy changes nothing except your own understanding.
"""

import jax, jax.numpy as jnp
import numpy as np

D = 128
N_MSG = 8192
DIM_SIZE = 2048


def setup_inputs(seed: int = 0) -> dict:
    key = jax.random.key(seed)
    k1, k2, k3, k4, k5 = jax.random.split(key, 5)
    msg = jax.random.normal(k1, (N_MSG, D), dtype=jnp.float32)
    index = jax.random.randint(k2, (N_MSG,), 0, DIM_SIZE, dtype=jnp.int32)
    t = jax.random.uniform(k3, (N_MSG,), dtype=jnp.float32)
    lim = 1.0 / np.sqrt(D)
    W = jax.random.uniform(k4, (D, D), dtype=jnp.float32, minval=-lim, maxval=lim)
    b = jax.random.uniform(k5, (D,), dtype=jnp.float32, minval=-lim, maxval=lim)
    return {"msg": msg, "index": index, "t": t, "dim_size": DIM_SIZE, "W": W, "b": b}


def reference(msg, index, t, dim_size, W, b):
    # Equivalent to: for each node, gather its messages, sort by t, then
    # sequentially apply h = Linear(m + h) starting from h = 0.
    # We sort all messages by (index primary, t secondary) and run one
    # global scan that resets the hidden state at segment boundaries.
    order = jnp.lexsort((t, index))
    msg_s = msg[order]
    idx_s = index[order]
    n = msg_s.shape[0]
    prev = jnp.concatenate([jnp.full((1,), -1, dtype=idx_s.dtype), idx_s[:-1]])
    reset = (idx_s != prev)

    def step(h, inp):
        m, r = inp
        h = jnp.where(r, jnp.zeros_like(h), h)
        h_new = (m + h) @ W.T + b
        return h_new, h_new

    h0 = jnp.zeros((msg_s.shape[-1],), dtype=msg_s.dtype)
    _, hs = jax.lax.scan(step, h0, (msg_s, reset))

    # scatter the last hidden state of each segment into the memory
    pos = jnp.arange(n, dtype=jnp.int32)
    dim_size_arr = jnp.asarray(dim_size, dtype=jnp.int32)
    neg_one = -(dim_size_arr // dim_size_arr)
    last_pos = jnp.full((DIM_SIZE,), neg_one, dtype=jnp.int32).at[idx_s].max(pos)
    has_msg = last_pos >= 0
    gathered = hs[jnp.clip(last_pos, 0, n - 1)]
    hidden = jnp.where(has_msg[:, None], gathered, jnp.zeros_like(gathered))
    return hidden

if __name__ == "__main__":
    import jax
    _d = setup_inputs()
    print(jax.jit(kernel)(*tuple(_d.values())))

</pallas_src>

<mosaic_0001>
#map = affine_map<(d0, d1) -> (0, 0)>
#map1 = affine_map<(d0, d1) -> (0)>
module attributes {stable_mosaic.version = 14 : i64} {
  func.func @_sc_gather_body(%arg0: i32, %arg1: i32, %arg2: memref<8192x128xf32, #tpu.memory_space<hbm>>, %arg3: memref<8192xi32, #tpu.memory_space<hbm>>, %arg4: memref<8192xi32, #tpu.memory_space<hbm>>, %arg5: memref<8192x128xf32, #tpu.memory_space<hbm>>, %arg6: memref<8192xi32, #tpu.memory_space<hbm>>, %arg7: memref<256xi32, #tpu.memory_space<vmem>>, %arg8: memref<256x128xf32, #tpu.memory_space<vmem>>, %arg9: memref<8192xi32, #tpu.memory_space<vmem>>, %arg10: memref<256xi32, #tpu.memory_space<vmem>>, %arg11: memref<!tpu.dma_semaphore, #tpu.memory_space<semaphore_mem>>) attributes {dimension_semantics = [#tpu.dimension_semantics<core_parallel>, #tpu.dimension_semantics<subcore_parallel>], iteration_bounds = array<i64: 2, 16>, scalar_prefetch = 0 : i64, scratch_operands = 5 : i64, tpu.core_type = #tpu.core_type<sc_vector_subcore>, window_params = [{transform_indices = #map}, {transform_indices = #map1}, {transform_indices = #map1}, {transform_indices = #map}, {transform_indices = #map1}]} {
    %mul3A = arith.constant 2 : i32
    %mul3A_0 = arith.muli %arg1, %mul3A : i32
    %add3A = arith.addi %mul3A_0, %arg0 : i32
    %mul3A_1 = arith.constant 256 : i32
    %mul3A_2 = arith.muli %add3A, %mul3A_1 : i32
    "tpu.region"() ({
      %run_scoped3A = tpu.sem_alloc : memref<!tpu.dma_semaphore, #tpu.memory_space<semaphore_mem>>
      %dma_start3A_110 = tpu.memref_slice %arg3[%mul3A_2] : memref<8192xi32, #tpu.memory_space<hbm>> -> memref<256xi32, #tpu.memory_space<hbm>>
      %dma_start3A_111 = tpu.memref_slice %arg3[%mul3A_2] : memref<8192xi32, #tpu.memory_space<hbm>> -> memref<256xi32, #tpu.memory_space<hbm>>
      tpu.enqueue_dma source(%dma_start3A_111 : memref<256xi32, #tpu.memory_space<hbm>>) target(%arg7 : memref<256xi32, #tpu.memory_space<vmem>>) target_semaphore(%run_scoped3A : memref<!tpu.dma_semaphore, #tpu.memory_space<semaphore_mem>>)
      %dma_wait3A_112 = tpu.memref_slice %arg3[%mul3A_2] : memref<8192xi32, #tpu.memory_space<hbm>> -> memref<256xi32, #tpu.memory_space<hbm>>
      %dma_wait3A_113 = tpu.memref_slice %arg3[%mul3A_2] : memref<8192xi32, #tpu.memory_space<hbm>> -> memref<256xi32, #tpu.memory_space<hbm>>
      tpu.wait_dma2 semaphore(%run_scoped3A : memref<!tpu.dma_semaphore, #tpu.memory_space<semaphore_mem>>) src(%dma_wait3A_113 : memref<256xi32, #tpu.memory_space<hbm>>) dst(%arg7 : memref<256xi32, #tpu.memory_space<vmem>>)
      tpu.yield
    }) : () -> ()
    %dma_start3A = arith.constant 0 : i32
    %dma_start3A_3 = arith.constant 0 : i32
    %dma_start3A_4 = tpu.memref_slice %arg8[%dma_start3A, %dma_start3A_3] : memref<256x128xf32, #tpu.memory_space<vmem>> -> memref<128x128xf32, #tpu.memory_space<vmem>>
    %dma_start3A_5 = arith.constant 0 : i32
    %dma_start3A_6 = tpu.memref_slice %arg7[%dma_start3A_5] : memref<256xi32, #tpu.memory_space<vmem>> -> memref<128xi32, #tpu.memory_space<vmem>>
    %dma_start3A_7 = arith.constant 0 : i32
    %dma_start3A_8 = arith.constant 0 : i32
    %dma_start3A_9 = tpu.memref_slice %arg2[%dma_start3A_7, %dma_start3A_8] : memref<8192x128xf32, #tpu.memory_space<hbm>> -> memref<8192x128xf32, #tpu.memory_space<hbm>>
    tpu.enqueue_indirect_dma source(%dma_start3A_9 : memref<8192x128xf32, #tpu.memory_space<hbm>>) target(%dma_start3A_4 : memref<128x128xf32, #tpu.memory_space<vmem>>) offsets(%dma_start3A_6 : memref<128xi32, #tpu.memory_space<vmem>>) semaphore(%arg11 : memref<!tpu.dma_semaphore, #tpu.memory_space<semaphore_mem>>)
    %dma_start3A_10 = arith.constant 128 : i32
    %dma_start3A_11 = arith.constant 0 : i32
    %dma_start3A_12 = tpu.memref_slice %arg8[%dma_start3A_10, %dma_start3A_11] : memref<256x128xf32, #tpu.memory_space<vmem>> -> memref<128x128xf32, #tpu.memory_space<vmem>>
    %dma_start3A_13 = arith.constant 128 : i32
    %dma_start3A_14 = tpu.memref_slice %arg7[%dma_start3A_13] : memref<256xi32, #tpu.memory_space<vmem>> -> memref<128xi32, #tpu.memory_space<vmem>>
    %dma_start3A_15 = arith.constant 0 : i32
    %dma_start3A_16 = arith.constant 0 : i32
    %dma_start3A_17 = tpu.memref_slice %arg2[%dma_start3A_15, %dma_start3A_16] : memref<8192x128xf32, #tpu.memory_space<hbm>> -> memref<8192x128xf32, #tpu.memory_space<hbm>>
    tpu.enqueue_indirect_dma source(%dma_start3A_17 : memref<8192x128xf32, #tpu.memory_space<hbm>>) target(%dma_start3A_12 : memref<128x128xf32, #tpu.memory_space<vmem>>) offsets(%dma_start3A_14 : memref<128xi32, #tpu.memory_space<vmem>>) semaphore(%arg11 : memref<!tpu.dma_semaphore, #tpu.memory_space<semaphore_mem>>)
    "tpu.region"() ({
      %run_scoped3A = tpu.sem_alloc : memref<!tpu.dma_semaphore, #tpu.memory_space<semaphore_mem>>
      tpu.enqueue_dma source(%arg4 : memref<8192xi32, #tpu.memory_space<hbm>>) target(%arg9 : memref<8192xi32, #tpu.memory_space<vmem>>) target_semaphore(%run_scoped3A : memref<!tpu.dma_semaphore, #tpu.memory_space<semaphore_mem>>)
      tpu.wait_dma2 semaphore(%run_scoped3A : memref<!tpu.dma_semaphore, #tpu.memory_space<semaphore_mem>>) src(%arg4 : memref<8192xi32, #tpu.memory_space<hbm>>) dst(%arg9 : memref<8192xi32, #tpu.memory_space<vmem>>)
      tpu.yield
    }) : () -> ()
    %get3A = arith.constant 0 : index
    %get3A_18 = tpu.vector_load %arg7[%get3A] {strides = array<i32>} : memref<256xi32, #tpu.memory_space<vmem>>, vector<16xi32>,
    %gather3A = tpu.vector_load_idx %arg9[%get3A_18] : memref<8192xi32, #tpu.memory_space<vmem>>[vector<16xi32>], vector<16xi32>,
    %swap3A = arith.constant 0 : index
    %swap3A_19 = tpu.vector_load %arg10[%swap3A] {strides = array<i32>} : memref<256xi32, #tpu.memory_space<vmem>>, vector<16xi32>,
    tpu.vector_store %arg10[%swap3A], %gather3A {strides = array<i32>} : memref<256xi32, #tpu.memory_space<vmem>>, vector<16xi32>,
    %get3A_20 = arith.constant 16 : index
    %get3A_21 = tpu.vector_load %arg7[%get3A_20] {strides = array<i32>} : memref<256xi32, #tpu.memory_space<vmem>>, vector<16xi32>,
    %gather3A_22 = tpu.vector_load_idx %arg9[%get3A_21] : memref<8192xi32, #tpu.memory_space<vmem>>[vector<16xi32>], vector<16xi32>,
    %swap3A_23 = arith.constant 16 : index
    %swap3A_24 = tpu.vector_load %arg10[%swap3A_23] {strides = array<i32>} : memref<256xi32, #tpu.memory_space<vmem>>, vector<16xi32>,
    tpu.vector_store %arg10[%swap3A_23], %gather3A_22 {strides = array<i32>} : memref<256xi32, #tpu.memory_space<vmem>>, vector<16xi32>,
    %get3A_25 = arith.constant 32 : index
    %get3A_26 = tpu.vector_load %arg7[%get3A_25] {strides = array<i32>} : memref<256xi32, #tpu.memory_space<vmem>>, vector<16xi32>,
    %gather3A_27 = tpu.vector_load_idx %arg9[%get3A_26] : memref<8192xi32, #tpu.memory_space<vmem>>[vector<16xi32>], vector<16xi32>,
    %swap3A_28 = arith.constant 32 : index
    %swap3A_29 = tpu.vector_load %arg10[%swap3A_28] {strides = array<i32>} : memref<256xi32, #tpu.memory_space<vmem>>, vector<16xi32>,
    tpu.vector_store %arg10[%swap3A_28], %gather3A_27 {strides = array<i32>} : memref<256xi32, #tpu.memory_space<vmem>>, vector<16xi32>,
    %get3A_30 = arith.constant 48 : index
    %get3A_31 = tpu.vector_load %arg7[%get3A_30] {strides = array<i32>} : memref<256xi32, #tpu.memory_space<vmem>>, vector<16xi32>,
    %gather3A_32 = tpu.vector_load_idx %arg9[%get3A_31] : memref<8192xi32, #tpu.memory_space<vmem>>[vector<16xi32>], vector<16xi32>,
    %swap3A_33 = arith.constant 48 : index
    %swap3A_34 = tpu.vector_load %arg10[%swap3A_33] {strides = array<i32>} : memref<256xi32, #tpu.memory_space<vmem>>, vector<16xi32>,
    tpu.vector_store %arg10[%swap3A_33], %gather3A_32 {strides = array<i32>} : memref<256xi32, #tpu.memory_space<vmem>>, vector<16xi32>,
    %get3A_35 = arith.constant 64 : index
    %get3A_36 = tpu.vector_load %arg7[%get3A_35] {strides = array<i32>} : memref<256xi32, #tpu.memory_space<vmem>>, vector<16xi32>,
    %gather3A_37 = tpu.vector_load_idx %arg9[%get3A_36] : memref<8192xi32, #tpu.memory_space<vmem>>[vector<16xi32>], vector<16xi32>,
    %swap3A_38 = arith.constant 64 : index
    %swap3A_39 = tpu.vector_load %arg10[%swap3A_38] {strides = array<i32>} : memref<256xi32, #tpu.memory_space<vmem>>, vector<16xi32>,
    tpu.vector_store %arg10[%swap3A_38], %gather3A_37 {strides = array<i32>} : memref<256xi32, #tpu.memory_space<vmem>>, vector<16xi32>,
    %get3A_40 = arith.constant 80 : index
    %get3A_41 = tpu.vector_load %arg7[%get3A_40] {strides = array<i32>} : memref<256xi32, #tpu.memory_space<vmem>>, vector<16xi32>,
    %gather3A_42 = tpu.vector_load_idx %arg9[%get3A_41] : memref<8192xi32, #tpu.memory_space<vmem>>[vector<16xi32>], vector<16xi32>,
    %swap3A_43 = arith.constant 80 : index
    %swap3A_44 = tpu.vector_load %arg10[%swap3A_43] {strides = array<i32>} : memref<256xi32, #tpu.memory_space<vmem>>, vector<16xi32>,
    tpu.vector_store %arg10[%swap3A_43], %gather3A_42 {strides = array<i32>} : memref<256xi32, #tpu.memory_space<vmem>>, vector<16xi32>,
    %get3A_45 = arith.constant 96 : index
    %get3A_46 = tpu.vector_load %arg7[%get3A_45] {strides = array<i32>} : memref<256xi32, #tpu.memory_space<vmem>>, vector<16xi32>,
    %gather3A_47 = tpu.vector_load_idx %arg9[%get3A_46] : memref<8192xi32, #tpu.memory_space<vmem>>[vector<16xi32>], vector<16xi32>,
    %swap3A_48 = arith.constant 96 : index
    %swap3A_49 = tpu.vector_load %arg10[%swap3A_48] {strides = array<i32>} : memref<256xi32, #tpu.memory_space<vmem>>, vector<16xi32>,
    tpu.vector_store %arg10[%swap3A_48], %gather3A_47 {strides = array<i32>} : memref<256xi32, #tpu.memory_space<vmem>>, vector<16xi32>,
    %get3A_50 = arith.constant 112 : index
    %get3A_51 = tpu.vector_load %arg7[%get3A_50] {strides = array<i32>} : memref<256xi32, #tpu.memory_space<vmem>>, vector<16xi32>,
    %gather3A_52 = tpu.vector_load_idx %arg9[%get3A_51] : memref<8192xi32, #tpu.memory_space<vmem>>[vector<16xi32>], vector<16xi32>,
    %swap3A_53 = arith.constant 112 : index
    %swap3A_54 = tpu.vector_load %arg10[%swap3A_53] {strides = array<i32>} : memref<256xi32, #tpu.memory_space<vmem>>, vector<16xi32>,
    tpu.vector_store %arg10[%swap3A_53], %gather3A_52 {strides = array<i32>} : memref<256xi32, #tpu.memory_space<vmem>>, vector<16xi32>,
    %get3A_55 = arith.constant 128 : index
    %get3A_56 = tpu.vector_load %arg7[%get3A_55] {strides = array<i32>} : memref<256xi32, #tpu.memory_space<vmem>>, vector<16xi32>,
    %gather3A_57 = tpu.vector_load_idx %arg9[%get3A_56] : memref<8192xi32, #tpu.memory_space<vmem>>[vector<16xi32>], vector<16xi32>,
    %swap3A_58 = arith.constant 128 : index
    %swap3A_59 = tpu.vector_load %arg10[%swap3A_58] {strides = array<i32>} : memref<256xi32, #tpu.memory_space<vmem>>, vector<16xi32>,
    tpu.vector_store %arg10[%swap3A_58], %gather3A_57 {strides = array<i32>} : memref<256xi32, #tpu.memory_space<vmem>>, vector<16xi32>,
    %get3A_60 = arith.constant 144 : index
    %get3A_61 = tpu.vector_load %arg7[%get3A_60] {strides = array<i32>} : memref<256xi32, #tpu.memory_space<vmem>>, vector<16xi32>,
    %gather3A_62 = tpu.vector_load_idx %arg9[%get3A_61] : memref<8192xi32, #tpu.memory_space<vmem>>[vector<16xi32>], vector<16xi32>,
    %swap3A_63 = arith.constant 144 : index
    %swap3A_64 = tpu.vector_load %arg10[%swap3A_63] {strides = array<i32>} : memref<256xi32, #tpu.memory_space<vmem>>, vector<16xi32>,
    tpu.vector_store %arg10[%swap3A_63], %gather3A_62 {strides = array<i32>} : memref<256xi32, #tpu.memory_space<vmem>>, vector<16xi32>,
    %get3A_65 = arith.constant 160 : index
    %get3A_66 = tpu.vector_load %arg7[%get3A_65] {strides = array<i32>} : memref<256xi32, #tpu.memory_space<vmem>>, vector<16xi32>,
    %gather3A_67 = tpu.vector_load_idx %arg9[%get3A_66] : memref<8192xi32, #tpu.memory_space<vmem>>[vector<16xi32>], vector<16xi32>,
    %swap3A_68 = arith.constant 160 : index
    %swap3A_69 = tpu.vector_load %arg10[%swap3A_68] {strides = array<i32>} : memref<256xi32, #tpu.memory_space<vmem>>, vector<16xi32>,
    tpu.vector_store %arg10[%swap3A_68], %gather3A_67 {strides = array<i32>} : memref<256xi32, #tpu.memory_space<vmem>>, vector<16xi32>,
    %get3A_70 = arith.constant 176 : index
    %get3A_71 = tpu.vector_load %arg7[%get3A_70] {strides = array<i32>} : memref<256xi32, #tpu.memory_space<vmem>>, vector<16xi32>,
    %gather3A_72 = tpu.vector_load_idx %arg9[%get3A_71] : memref<8192xi32, #tpu.memory_space<vmem>>[vector<16xi32>], vector<16xi32>,
    %swap3A_73 = arith.constant 176 : index
    %swap3A_74 = tpu.vector_load %arg10[%swap3A_73] {strides = array<i32>} : memref<256xi32, #tpu.memory_space<vmem>>, vector<16xi32>,
    tpu.vector_store %arg10[%swap3A_73], %gather3A_72 {strides = array<i32>} : memref<256xi32, #tpu.memory_space<vmem>>, vector<16xi32>,
    %get3A_75 = arith.constant 192 : index
    %get3A_76 = tpu.vector_load %arg7[%get3A_75] {strides = array<i32>} : memref<256xi32, #tpu.memory_space<vmem>>, vector<16xi32>,
    %gather3A_77 = tpu.vector_load_idx %arg9[%get3A_76] : memref<8192xi32, #tpu.memory_space<vmem>>[vector<16xi32>], vector<16xi32>,
    %swap3A_78 = arith.constant 192 : index
    %swap3A_79 = tpu.vector_load %arg10[%swap3A_78] {strides = array<i32>} : memref<256xi32, #tpu.memory_space<vmem>>, vector<16xi32>,
    tpu.vector_store %arg10[%swap3A_78], %gather3A_77 {strides = array<i32>} : memref<256xi32, #tpu.memory_space<vmem>>, vector<16xi32>,
    %get3A_80 = arith.constant 208 : index
    %get3A_81 = tpu.vector_load %arg7[%get3A_80] {strides = array<i32>} : memref<256xi32, #tpu.memory_space<vmem>>, vector<16xi32>,
    %gather3A_82 = tpu.vector_load_idx %arg9[%get3A_81] : memref<8192xi32, #tpu.memory_space<vmem>>[vector<16xi32>], vector<16xi32>,
    %swap3A_83 = arith.constant 208 : index
    %swap3A_84 = tpu.vector_load %arg10[%swap3A_83] {strides = array<i32>} : memref<256xi32, #tpu.memory_space<vmem>>, vector<16xi32>,
    tpu.vector_store %arg10[%swap3A_83], %gather3A_82 {strides = array<i32>} : memref<256xi32, #tpu.memory_space<vmem>>, vector<16xi32>,
    %get3A_85 = arith.constant 224 : index
    %get3A_86 = tpu.vector_load %arg7[%get3A_85] {strides = array<i32>} : memref<256xi32, #tpu.memory_space<vmem>>, vector<16xi32>,
    %gather3A_87 = tpu.vector_load_idx %arg9[%get3A_86] : memref<8192xi32, #tpu.memory_space<vmem>>[vector<16xi32>], vector<16xi32>,
    %swap3A_88 = arith.constant 224 : index
    %swap3A_89 = tpu.vector_load %arg10[%swap3A_88] {strides = array<i32>} : memref<256xi32, #tpu.memory_space<vmem>>, vector<16xi32>,
    tpu.vector_store %arg10[%swap3A_88], %gather3A_87 {strides = array<i32>} : memref<256xi32, #tpu.memory_space<vmem>>, vector<16xi32>,
    %get3A_90 = arith.constant 240 : index
    %get3A_91 = tpu.vector_load %arg7[%get3A_90] {strides = array<i32>} : memref<256xi32, #tpu.memory_space<vmem>>, vector<16xi32>,
    %gather3A_92 = tpu.vector_load_idx %arg9[%get3A_91] : memref<8192xi32, #tpu.memory_space<vmem>>[vector<16xi32>], vector<16xi32>,
    %swap3A_93 = arith.constant 240 : index
    %swap3A_94 = tpu.vector_load %arg10[%swap3A_93] {strides = array<i32>} : memref<256xi32, #tpu.memory_space<vmem>>, vector<16xi32>,
    tpu.vector_store %arg10[%swap3A_93], %gather3A_92 {strides = array<i32>} : memref<256xi32, #tpu.memory_space<vmem>>, vector<16xi32>,
    %dma_wait3A = arith.constant 0 : i32
    %dma_wait3A_95 = arith.constant 0 : i32
    %dma_wait3A_96 = tpu.memref_slice %arg8[%dma_wait3A, %dma_wait3A_95] : memref<256x128xf32, #tpu.memory_space<vmem>> -> memref<128x128xf32, #tpu.memory_space<vmem>>
    %dma_wait3A_97 = arith.constant 0 : i32
    %dma_wait3A_98 = tpu.memref_slice %arg7[%dma_wait3A_97] : memref<256xi32, #tpu.memory_space<vmem>> -> memref<128xi32, #tpu.memory_space<vmem>>
    %dma_wait3A_99 = arith.constant 0 : i32
    %dma_wait3A_100 = arith.constant 0 : i32
    %dma_wait3A_101 = tpu.memref_slice %arg2[%dma_wait3A_99, %dma_wait3A_100] : memref<8192x128xf32, #tpu.memory_space<hbm>> -> memref<8192x128xf32, #tpu.memory_space<hbm>>
    tpu.wait_indirect_dma semaphore(%arg11 : memref<!tpu.dma_semaphore, #tpu.memory_space<semaphore_mem>>) src(%dma_wait3A_101 : memref<8192x128xf32, #tpu.memory_space<hbm>>) dst(%dma_wait3A_96 : memref<128x128xf32, #tpu.memory_space<vmem>>)
    %dma_wait3A_102 = arith.constant 128 : i32
    %dma_wait3A_103 = arith.constant 0 : i32
    %dma_wait3A_104 = tpu.memref_slice %arg8[%dma_wait3A_102, %dma_wait3A_103] : memref<256x128xf32, #tpu.memory_space<vmem>> -> memref<128x128xf32, #tpu.memory_space<vmem>>
    %dma_wait3A_105 = arith.constant 128 : i32
    %dma_wait3A_106 = tpu.memref_slice %arg7[%dma_wait3A_105] : memref<256xi32, #tpu.memory_space<vmem>> -> memref<128xi32, #tpu.memory_space<vmem>>
    %dma_wait3A_107 = arith.constant 0 : i32
    %dma_wait3A_108 = arith.constant 0 : i32
    %dma_wait3A_109 = tpu.memref_slice %arg2[%dma_wait3A_107, %dma_wait3A_108] : memref<8192x128xf32, #tpu.memory_space<hbm>> -> memref<8192x128xf32, #tpu.memory_space<hbm>>
    tpu.wait_indirect_dma semaphore(%arg11 : memref<!tpu.dma_semaphore, #tpu.memory_space<semaphore_mem>>) src(%dma_wait3A_109 : memref<8192x128xf32, #tpu.memory_space<hbm>>) dst(%dma_wait3A_104 : memref<128x128xf32, #tpu.memory_space<vmem>>)
    "tpu.region"() ({
      %run_scoped3A = tpu.sem_alloc : memref<!tpu.dma_semaphore, #tpu.memory_space<semaphore_mem>>
      %dma_start3A_110 = arith.constant 0 : i32
      %dma_start3A_111 = tpu.memref_slice %arg5[%mul3A_2, %dma_start3A_110] : memref<8192x128xf32, #tpu.memory_space<hbm>> -> memref<256x128xf32, #tpu.memory_space<hbm>>
      %dma_start3A_112 = arith.constant 0 : i32
      %dma_start3A_113 = tpu.memref_slice %arg5[%mul3A_2, %dma_start3A_112] : memref<8192x128xf32, #tpu.memory_space<hbm>> -> memref<256x128xf32, #tpu.memory_space<hbm>>
      tpu.enqueue_dma source(%arg8 : memref<256x128xf32, #tpu.memory_space<vmem>>) target(%dma_start3A_113 : memref<256x128xf32, #tpu.memory_space<hbm>>) target_semaphore(%run_scoped3A : memref<!tpu.dma_semaphore, #tpu.memory_space<semaphore_mem>>)
      %dma_wait3A_114 = arith.constant 0 : i32
      %dma_wait3A_115 = tpu.memref_slice %arg5[%mul3A_2, %dma_wait3A_114] : memref<8192x128xf32, #tpu.memory_space<hbm>> -> memref<256x128xf32, #tpu.memory_space<hbm>>
      %dma_wait3A_116 = arith.constant 0 : i32
      %dma_wait3A_117 = tpu.memref_slice %arg5[%mul3A_2, %dma_wait3A_116] : memref<8192x128xf32, #tpu.memory_space<hbm>> -> memref<256x128xf32, #tpu.memory_space<hbm>>
      tpu.wait_dma2 semaphore(%run_scoped3A : memref<!tpu.dma_semaphore, #tpu.memory_space<semaphore_mem>>) src(%arg8 : memref<256x128xf32, #tpu.memory_space<vmem>>) dst(%dma_wait3A_117 : memref<256x128xf32, #tpu.memory_space<hbm>>)
      tpu.yield
    }) : () -> ()
    "tpu.region"() ({
      %run_scoped3A = tpu.sem_alloc : memref<!tpu.dma_semaphore, #tpu.memory_space<semaphore_mem>>
      %dma_start3A_110 = tpu.memref_slice %arg6[%mul3A_2] : memref<8192xi32, #tpu.memory_space<hbm>> -> memref<256xi32, #tpu.memory_space<hbm>>
      %dma_start3A_111 = tpu.memref_slice %arg6[%mul3A_2] : memref<8192xi32, #tpu.memory_space<hbm>> -> memref<256xi32, #tpu.memory_space<hbm>>
      tpu.enqueue_dma source(%arg10 : memref<256xi32, #tpu.memory_space<vmem>>) target(%dma_start3A_111 : memref<256xi32, #tpu.memory_space<hbm>>) target_semaphore(%run_scoped3A : memref<!tpu.dma_semaphore, #tpu.memory_space<semaphore_mem>>)
      %dma_wait3A_112 = tpu.memref_slice %arg6[%mul3A_2] : memref<8192xi32, #tpu.memory_space<hbm>> -> memref<256xi32, #tpu.memory_space<hbm>>
      %dma_wait3A_113 = tpu.memref_slice %arg6[%mul3A_2] : memref<8192xi32, #tpu.memory_space<hbm>> -> memref<256xi32, #tpu.memory_space<hbm>>
      tpu.wait_dma2 semaphore(%run_scoped3A : memref<!tpu.dma_semaphore, #tpu.memory_space<semaphore_mem>>) src(%arg10 : memref<256xi32, #tpu.memory_space<vmem>>) dst(%dma_wait3A_113 : memref<256xi32, #tpu.memory_space<hbm>>)
      tpu.yield
    }) : () -> ()
    return
  }
}

#map = affine_map<(d0, d1) -> (0)>
#map1 = affine_map<(d0, d1) -> (0, 0)>
module attributes {stable_mosaic.version = 14 : i64} {
  func.func @_sc_final_body(%arg0: i32, %arg1: i32, %arg2: memref<8192xi32, #tpu.memory_space<hbm>>, %arg3: memref<8200x128xf32, #tpu.memory_space<hbm>>, %arg4: memref<2048x128xf32, #tpu.memory_space<hbm>>, %arg5: memref<8192xi32, #tpu.memory_space<vmem>>, %arg6: memref<64xi32, #tpu.memory_space<vmem>>, %arg7: memref<64x128xf32, #tpu.memory_space<vmem>>, %arg8: memref<!tpu.dma_semaphore, #tpu.memory_space<semaphore_mem>>) attributes {dimension_semantics = [#tpu.dimension_semantics<core_parallel>, #tpu.dimension_semantics<subcore_parallel>], iteration_bounds = array<i64: 2, 16>, scalar_prefetch = 0 : i64, scratch_operands = 4 : i64, tpu.core_type = #tpu.core_type<sc_vector_subcore>, window_params = [{transform_indices = #map}, {transform_indices = #map1}, {transform_indices = #map1}]} {
    %mul3A = arith.constant 2 : i32
    %mul3A_0 = arith.muli %arg1, %mul3A : i32
    %add3A = arith.addi %mul3A_0, %arg0 : i32
    %mul3A_1 = arith.constant 64 : i32
    %mul3A_2 = arith.muli %add3A, %mul3A_1 : i32
    "tpu.region"() ({
      %run_scoped3A = tpu.sem_alloc : memref<!tpu.dma_semaphore, #tpu.memory_space<semaphore_mem>>
      tpu.enqueue_dma source(%arg2 : memref<8192xi32, #tpu.memory_space<hbm>>) target(%arg5 : memref<8192xi32, #tpu.memory_space<vmem>>) target_semaphore(%run_scoped3A : memref<!tpu.dma_semaphore, #tpu.memory_space<semaphore_mem>>)
      tpu.wait_dma2 semaphore(%run_scoped3A : memref<!tpu.dma_semaphore, #tpu.memory_space<semaphore_mem>>) src(%arg2 : memref<8192xi32, #tpu.memory_space<hbm>>) dst(%arg5 : memref<8192xi32, #tpu.memory_space<vmem>>)
      tpu.yield
    }) : () -> ()
    %iota3A = tpu.iota {dimensions = array<i32: 0>} : vector<16xi32>
    %add3A_3 = arith.constant 0 : i32
    %add3A_4 = arith.addi %mul3A_2, %add3A_3 : i32
    %add3A_5 = vector.broadcast %add3A_4 : i32 to vector<16xi32>
    %add3A_6 = arith.addi %add3A_5, %iota3A : vector<16xi32>
    %broadcast_in_dim3A = arith.constant 0 : i32
    %broadcast_in_dim3A_7 = vector.broadcast %broadcast_in_dim3A : i32 to vector<16xi32>
    %broadcast_in_dim3A_8 = arith.constant 8192 : i32
    %broadcast_in_dim3A_9 = vector.broadcast %broadcast_in_dim3A_8 : i32 to vector<16xi32>
    %lt3A = arith.cmpi slt, %broadcast_in_dim3A_7, %broadcast_in_dim3A_9 : vector<16xi32>
    %add3A_10 = arith.addi %broadcast_in_dim3A_7, %broadcast_in_dim3A_9 : vector<16xi32>
    %shift_right_arithmetic3A = arith.constant 1 : i32
    %shift_right_arithmetic3A_11 = vector.broadcast %shift_right_arithmetic3A : i32 to vector<16xi32>
    %shift_right_arithmetic3A_12 = arith.shrsi %add3A_10, %shift_right_arithmetic3A_11 : vector<16xi32>
    %broadcast_in_dim3A_13 = arith.constant 8191 : i32
    %broadcast_in_dim3A_14 = vector.broadcast %broadcast_in_dim3A_13 : i32 to vector<16xi32>
    %min3A = arith.minsi %shift_right_arithmetic3A_12, %broadcast_in_dim3A_14 : vector<16xi32>
    %gather3A = tpu.vector_load_idx %arg5[%min3A] : memref<8192xi32, #tpu.memory_space<vmem>>[vector<16xi32>], vector<16xi32>,
    %le3A = arith.cmpi sle, %gather3A, %add3A_6 : vector<16xi32>
    %and3A = arith.andi %le3A, %lt3A : vector<16xi1>
    %gt3A = arith.cmpi sgt, %gather3A, %add3A_6 : vector<16xi32>
    %and3A_15 = arith.andi %gt3A, %lt3A : vector<16xi1>
    %add3A_16 = arith.constant 1 : i32
    %add3A_17 = vector.broadcast %add3A_16 : i32 to vector<16xi32>
    %add3A_18 = arith.addi %shift_right_arithmetic3A_12, %add3A_17 : vector<16xi32>
    %select_n3A = arith.select %and3A, %add3A_18, %broadcast_in_dim3A_7 : vector<16xi1>, vector<16xi32>
    %select_n3A_19 = arith.select %and3A_15, %shift_right_arithmetic3A_12, %broadcast_in_dim3A_9 : vector<16xi1>, vector<16xi32>
    %lt3A_20 = arith.cmpi slt, %select_n3A, %select_n3A_19 : vector<16xi32>
    %add3A_21 = arith.addi %select_n3A, %select_n3A_19 : vector<16xi32>
    %shift_right_arithmetic3A_22 = arith.constant 1 : i32
    %shift_right_arithmetic3A_23 = vector.broadcast %shift_right_arithmetic3A_22 : i32 to vector<16xi32>
    %shift_right_arithmetic3A_24 = arith.shrsi %add3A_21, %shift_right_arithmetic3A_23 : vector<16xi32>
    %broadcast_in_dim3A_25 = arith.constant 8191 : i32
    %broadcast_in_dim3A_26 = vector.broadcast %broadcast_in_dim3A_25 : i32 to vector<16xi32>
    %min3A_27 = arith.minsi %shift_right_arithmetic3A_24, %broadcast_in_dim3A_26 : vector<16xi32>
    %gather3A_28 = tpu.vector_load_idx %arg5[%min3A_27] : memref<8192xi32, #tpu.memory_space<vmem>>[vector<16xi32>], vector<16xi32>,
    %le3A_29 = arith.cmpi sle, %gather3A_28, %add3A_6 : vector<16xi32>
    %and3A_30 = arith.andi %le3A_29, %lt3A_20 : vector<16xi1>
    %gt3A_31 = arith.cmpi sgt, %gather3A_28, %add3A_6 : vector<16xi32>
    %and3A_32 = arith.andi %gt3A_31, %lt3A_20 : vector<16xi1>
    %add3A_33 = arith.constant 1 : i32
    %add3A_34 = vector.broadcast %add3A_33 : i32 to vector<16xi32>
    %add3A_35 = arith.addi %shift_right_arithmetic3A_24, %add3A_34 : vector<16xi32>
    %select_n3A_36 = arith.select %and3A_30, %add3A_35, %select_n3A : vector<16xi1>, vector<16xi32>
    %select_n3A_37 = arith.select %and3A_32, %shift_right_arithmetic3A_24, %select_n3A_19 : vector<16xi1>, vector<16xi32>
    %lt3A_38 = arith.cmpi slt, %select_n3A_36, %select_n3A_37 : vector<16xi32>
    %add3A_39 = arith.addi %select_n3A_36, %select_n3A_37 : vector<16xi32>
    %shift_right_arithmetic3A_40 = arith.constant 1 : i32
    %shift_right_arithmetic3A_41 = vector.broadcast %shift_right_arithmetic3A_40 : i32 to vector<16xi32>
    %shift_right_arithmetic3A_42 = arith.shrsi %add3A_39, %shift_right_arithmetic3A_41 : vector<16xi32>
    %broadcast_in_dim3A_43 = arith.constant 8191 : i32
    %broadcast_in_dim3A_44 = vector.broadcast %broadcast_in_dim3A_43 : i32 to vector<16xi32>
    %min3A_45 = arith.minsi %shift_right_arithmetic3A_42, %broadcast_in_dim3A_44 : vector<16xi32>
    %gather3A_46 = tpu.vector_load_idx %arg5[%min3A_45] : memref<8192xi32, #tpu.memory_space<vmem>>[vector<16xi32>], vector<16xi32>,
    %le3A_47 = arith.cmpi sle, %gather3A_46, %add3A_6 : vector<16xi32>
    %and3A_48 = arith.andi %le3A_47, %lt3A_38 : vector<16xi1>
    %gt3A_49 = arith.cmpi sgt, %gather3A_46, %add3A_6 : vector<16xi32>
    %and3A_50 = arith.andi %gt3A_49, %lt3A_38 : vector<16xi1>
    %add3A_51 = arith.constant 1 : i32
    %add3A_52 = vector.broadcast %add3A_51 : i32 to vector<16xi32>
    %add3A_53 = arith.addi %shift_right_arithmetic3A_42, %add3A_52 : vector<16xi32>
    %select_n3A_54 = arith.select %and3A_48, %add3A_53, %select_n3A_36 : vector<16xi1>, vector<16xi32>
    %select_n3A_55 = arith.select %and3A_50, %shift_right_arithmetic3A_42, %select_n3A_37 : vector<16xi1>, vector<16xi32>
    %lt3A_56 = arith.cmpi slt, %select_n3A_54, %select_n3A_55 : vector<16xi32>
    %add3A_57 = arith.addi %select_n3A_54, %select_n3A_55 : vector<16xi32>
    %shift_right_arithmetic3A_58 = arith.constant 1 : i32
    %shift_right_arithmetic3A_59 = vector.broadcast %shift_right_arithmetic3A_58 : i32 to vector<16xi32>
    %shift_right_arithmetic3A_60 = arith.shrsi %add3A_57, %shift_right_arithmetic3A_59 : vector<16xi32>
    %broadcast_in_dim3A_61 = arith.constant 8191 : i32
    %broadcast_in_dim3A_62 = vector.broadcast %broadcast_in_dim3A_61 : i32 to vector<16xi32>
    %min3A_63 = arith.minsi %shift_right_arithmetic3A_60, %broadcast_in_dim3A_62 : vector<16xi32>
    %gather3A_64 = tpu.vector_load_idx %arg5[%min3A_63] : memref<8192xi32, #tpu.memory_space<vmem>>[vector<16xi32>], vector<16xi32>,
    %le3A_65 = arith.cmpi sle, %gather3A_64, %add3A_6 : vector<16xi32>
    %and3A_66 = arith.andi %le3A_65, %lt3A_56 : vector<16xi1>
    %gt3A_67 = arith.cmpi sgt, %gather3A_64, %add3A_6 : vector<16xi32>
    %and3A_68 = arith.andi %gt3A_67, %lt3A_56 : vector<16xi1>
    %add3A_69 = arith.constant 1 : i32
    %add3A_70 = vector.broadcast %add3A_69 : i32 to vector<16xi32>
    %add3A_71 = arith.addi %shift_right_arithmetic3A_60, %add3A_70 : vector<16xi32>
    %select_n3A_72 = arith.select %and3A_66, %add3A_71, %select_n3A_54 : vector<16xi1>, vector<16xi32>
    %select_n3A_73 = arith.select %and3A_68, %shift_right_arithmetic3A_60, %select_n3A_55 : vector<16xi1>, vector<16xi32>
    %lt3A_74 = arith.cmpi slt, %select_n3A_72, %select_n3A_73 : vector<16xi32>
    %add3A_75 = arith.addi %select_n3A_72, %select_n3A_73 : vector<16xi32>
    %shift_right_arithmetic3A_76 = arith.constant 1 : i32
    %shift_right_arithmetic3A_77 = vector.broadcast %shift_right_arithmetic3A_76 : i32 to vector<16xi32>
    %shift_right_arithmetic3A_78 = arith.shrsi %add3A_75, %shift_right_arithmetic3A_77 : vector<16xi32>
    %broadcast_in_dim3A_79 = arith.constant 8191 : i32
    %broadcast_in_dim3A_80 = vector.broadcast %broadcast_in_dim3A_79 : i32 to vector<16xi32>
    %min3A_81 = arith.minsi %shift_right_arithmetic3A_78, %broadcast_in_dim3A_80 : vector<16xi32>
    %gather3A_82 = tpu.vector_load_idx %arg5[%min3A_81] : memref<8192xi32, #tpu.memory_space<vmem>>[vector<16xi32>], vector<16xi32>,
    %le3A_83 = arith.cmpi sle, %gather3A_82, %add3A_6 : vector<16xi32>
    %and3A_84 = arith.andi %le3A_83, %lt3A_74 : vector<16xi1>
    %gt3A_85 = arith.cmpi sgt, %gather3A_82, %add3A_6 : vector<16xi32>
    %and3A_86 = arith.andi %gt3A_85, %lt3A_74 : vector<16xi1>
    %add3A_87 = arith.constant 1 : i32
    %add3A_88 = vector.broadcast %add3A_87 : i32 to vector<16xi32>
    %add3A_89 = arith.addi %shift_right_arithmetic3A_78, %add3A_88 : vector<16xi32>
    %select_n3A_90 = arith.select %and3A_84, %add3A_89, %select_n3A_72 : vector<16xi1>, vector<16xi32>
    %select_n3A_91 = arith.select %and3A_86, %shift_right_arithmetic3A_78, %select_n3A_73 : vector<16xi1>, vector<16xi32>
    %lt3A_92 = arith.cmpi slt, %select_n3A_90, %select_n3A_91 : vector<16xi32>
    %add3A_93 = arith.addi %select_n3A_90, %select_n3A_91 : vector<16xi32>
    %shift_right_arithmetic3A_94 = arith.constant 1 : i32
    %shift_right_arithmetic3A_95 = vector.broadcast %shift_right_arithmetic3A_94 : i32 to vector<16xi32>
    %shift_right_arithmetic3A_96 = arith.shrsi %add3A_93, %shift_right_arithmetic3A_95 : vector<16xi32>
    %broadcast_in_dim3A_97 = arith.constant 8191 : i32
    %broadcast_in_dim3A_98 = vector.broadcast %broadcast_in_dim3A_97 : i32 to vector<16xi32>
    %min3A_99 = arith.minsi %shift_right_arithmetic3A_96, %broadcast_in_dim3A_98 : vector<16xi32>
    %gather3A_100 = tpu.vector_load_idx %arg5[%min3A_99] : memref<8192xi32, #tpu.memory_space<vmem>>[vector<16xi32>], vector<16xi32>,
    %le3A_101 = arith.cmpi sle, %gather3A_100, %add3A_6 : vector<16xi32>
    %and3A_102 = arith.andi %le3A_101, %lt3A_92 : vector<16xi1>
    %gt3A_103 = arith.cmpi sgt, %gather3A_100, %add3A_6 : vector<16xi32>
    %and3A_104 = arith.andi %gt3A_103, %lt3A_92 : vector<16xi1>
    %add3A_105 = arith.constant 1 : i32
    %add3A_106 = vector.broadcast %add3A_105 : i32 to vector<16xi32>
    %add3A_107 = arith.addi %shift_right_arithmetic3A_96, %add3A_106 : vector<16xi32>
    %select_n3A_108 = arith.select %and3A_102, %add3A_107, %select_n3A_90 : vector<16xi1>, vector<16xi32>
    %select_n3A_109 = arith.select %and3A_104, %shift_right_arithmetic3A_96, %select_n3A_91 : vector<16xi1>, vector<16xi32>
    %lt3A_110 = arith.cmpi slt, %select_n3A_108, %select_n3A_109 : vector<16xi32>
    %add3A_111 = arith.addi %select_n3A_108, %select_n3A_109 : vector<16xi32>
    %shift_right_arithmetic3A_112 = arith.constant 1 : i32
    %shift_right_arithmetic3A_113 = vector.broadcast %shift_right_arithmetic3A_112 : i32 to vector<16xi32>
    %shift_right_arithmetic3A_114 = arith.shrsi %add3A_111, %shift_right_arithmetic3A_113 : vector<16xi32>
    %broadcast_in_dim3A_115 = arith.constant 8191 : i32
    %broadcast_in_dim3A_116 = vector.broadcast %broadcast_in_dim3A_115 : i32 to vector<16xi32>
    %min3A_117 = arith.minsi %shift_right_arithmetic3A_114, %broadcast_in_dim3A_116 : vector<16xi32>
    %gather3A_118 = tpu.vector_load_idx %arg5[%min3A_117] : memref<8192xi32, #tpu.memory_space<vmem>>[vector<16xi32>], vector<16xi32>,
    %le3A_119 = arith.cmpi sle, %gather3A_118, %add3A_6 : vector<16xi32>
    %and3A_120 = arith.andi %le3A_119, %lt3A_110 : vector<16xi1>
    %gt3A_121 = arith.cmpi sgt, %gather3A_118, %add3A_6 : vector<16xi32>
    %and3A_122 = arith.andi %gt3A_121, %lt3A_110 : vector<16xi1>
    %add3A_123 = arith.constant 1 : i32
    %add3A_124 = vector.broadcast %add3A_123 : i32 to vector<16xi32>
    %add3A_125 = arith.addi %shift_right_arithmetic3A_114, %add3A_124 : vector<16xi32>
    %select_n3A_126 = arith.select %and3A_120, %add3A_125, %select_n3A_108 : vector<16xi1>, vector<16xi32>
    %select_n3A_127 = arith.select %and3A_122, %shift_right_arithmetic3A_114, %select_n3A_109 : vector<16xi1>, vector<16xi32>
    %lt3A_128 = arith.cmpi slt, %select_n3A_126, %select_n3A_127 : vector<16xi32>
    %add3A_129 = arith.addi %select_n3A_126, %select_n3A_127 : vector<16xi32>
    %shift_right_arithmetic3A_130 = arith.constant 1 : i32
    %shift_right_arithmetic3A_131 = vector.broadcast %shift_right_arithmetic3A_130 : i32 to vector<16xi32>
    %shift_right_arithmetic3A_132 = arith.shrsi %add3A_129, %shift_right_arithmetic3A_131 : vector<16xi32>
    %broadcast_in_dim3A_133 = arith.constant 8191 : i32
    %broadcast_in_dim3A_134 = vector.broadcast %broadcast_in_dim3A_133 : i32 to vector<16xi32>
    %min3A_135 = arith.minsi %shift_right_arithmetic3A_132, %broadcast_in_dim3A_134 : vector<16xi32>
    %gather3A_136 = tpu.vector_load_idx %arg5[%min3A_135] : memref<8192xi32, #tpu.memory_space<vmem>>[vector<16xi32>], vector<16xi32>,
    %le3A_137 = arith.cmpi sle, %gather3A_136, %add3A_6 : vector<16xi32>
    %and3A_138 = arith.andi %le3A_137, %lt3A_128 : vector<16xi1>
    %gt3A_139 = arith.cmpi sgt, %gather3A_136, %add3A_6 : vector<16xi32>
    %and3A_140 = arith.andi %gt3A_139, %lt3A_128 : vector<16xi1>
    %add3A_141 = arith.constant 1 : i32
    %add3A_142 = vector.broadcast %add3A_141 : i32 to vector<16xi32>
    %add3A_143 = arith.addi %shift_right_arithmetic3A_132, %add3A_142 : vector<16xi32>
    %select_n3A_144 = arith.select %and3A_138, %add3A_143, %select_n3A_126 : vector<16xi1>, vector<16xi32>
    %select_n3A_145 = arith.select %and3A_140, %shift_right_arithmetic3A_132, %select_n3A_127 : vector<16xi1>, vector<16xi32>
    %lt3A_146 = arith.cmpi slt, %select_n3A_144, %select_n3A_145 : vector<16xi32>
    %add3A_147 = arith.addi %select_n3A_144, %select_n3A_145 : vector<16xi32>
    %shift_right_arithmetic3A_148 = arith.constant 1 : i32
    %shift_right_arithmetic3A_149 = vector.broadcast %shift_right_arithmetic3A_148 : i32 to vector<16xi32>
    %shift_right_arithmetic3A_150 = arith.shrsi %add3A_147, %shift_right_arithmetic3A_149 : vector<16xi32>
    %broadcast_in_dim3A_151 = arith.constant 8191 : i32
    %broadcast_in_dim3A_152 = vector.broadcast %broadcast_in_dim3A_151 : i32 to vector<16xi32>
    %min3A_153 = arith.minsi %shift_right_arithmetic3A_150, %broadcast_in_dim3A_152 : vector<16xi32>
    %gather3A_154 = tpu.vector_load_idx %arg5[%min3A_153] : memref<8192xi32, #tpu.memory_space<vmem>>[vector<16xi32>], vector<16xi32>,
    %le3A_155 = arith.cmpi sle, %gather3A_154, %add3A_6 : vector<16xi32>
    %and3A_156 = arith.andi %le3A_155, %lt3A_146 : vector<16xi1>
    %gt3A_157 = arith.cmpi sgt, %gather3A_154, %add3A_6 : vector<16xi32>
    %and3A_158 = arith.andi %gt3A_157, %lt3A_146 : vector<16xi1>
    %add3A_159 = arith.constant 1 : i32
    %add3A_160 = vector.broadcast %add3A_159 : i32 to vector<16xi32>
    %add3A_161 = arith.addi %shift_right_arithmetic3A_150, %add3A_160 : vector<16xi32>
    %select_n3A_162 = arith.select %and3A_156, %add3A_161, %select_n3A_144 : vector<16xi1>, vector<16xi32>
    %select_n3A_163 = arith.select %and3A_158, %shift_right_arithmetic3A_150, %select_n3A_145 : vector<16xi1>, vector<16xi32>
    %lt3A_164 = arith.cmpi slt, %select_n3A_162, %select_n3A_163 : vector<16xi32>
    %add3A_165 = arith.addi %select_n3A_162, %select_n3A_163 : vector<16xi32>
    %shift_right_arithmetic3A_166 = arith.constant 1 : i32
    %shift_right_arithmetic3A_167 = vector.broadcast %shift_right_arithmetic3A_166 : i32 to vector<16xi32>
    %shift_right_arithmetic3A_168 = arith.shrsi %add3A_165, %shift_right_arithmetic3A_167 : vector<16xi32>
    %broadcast_in_dim3A_169 = arith.constant 8191 : i32
    %broadcast_in_dim3A_170 = vector.broadcast %broadcast_in_dim3A_169 : i32 to vector<16xi32>
    %min3A_171 = arith.minsi %shift_right_arithmetic3A_168, %broadcast_in_dim3A_170 : vector<16xi32>
    %gather3A_172 = tpu.vector_load_idx %arg5[%min3A_171] : memref<8192xi32, #tpu.memory_space<vmem>>[vector<16xi32>], vector<16xi32>,
    %le3A_173 = arith.cmpi sle, %gather3A_172, %add3A_6 : vector<16xi32>
    %and3A_174 = arith.andi %le3A_173, %lt3A_164 : vector<16xi1>
    %gt3A_175 = arith.cmpi sgt, %gather3A_172, %add3A_6 : vector<16xi32>
    %and3A_176 = arith.andi %gt3A_175, %lt3A_164 : vector<16xi1>
    %add3A_177 = arith.constant 1 : i32
    %add3A_178 = vector.broadcast %add3A_177 : i32 to vector<16xi32>
    %add3A_179 = arith.addi %shift_right_arithmetic3A_168, %add3A_178 : vector<16xi32>
    %select_n3A_180 = arith.select %and3A_174, %add3A_179, %select_n3A_162 : vector<16xi1>, vector<16xi32>
    %select_n3A_181 = arith.select %and3A_176, %shift_right_arithmetic3A_168, %select_n3A_163 : vector<16xi1>, vector<16xi32>
    %lt3A_182 = arith.cmpi slt, %select_n3A_180, %select_n3A_181 : vector<16xi32>
    %add3A_183 = arith.addi %select_n3A_180, %select_n3A_181 : vector<16xi32>
    %shift_right_arithmetic3A_184 = arith.constant 1 : i32
    %shift_right_arithmetic3A_185 = vector.broadcast %shift_right_arithmetic3A_184 : i32 to vector<16xi32>
    %shift_right_arithmetic3A_186 = arith.shrsi %add3A_183, %shift_right_arithmetic3A_185 : vector<16xi32>
    %broadcast_in_dim3A_187 = arith.constant 8191 : i32
    %broadcast_in_dim3A_188 = vector.broadcast %broadcast_in_dim3A_187 : i32 to vector<16xi32>
    %min3A_189 = arith.minsi %shift_right_arithmetic3A_186, %broadcast_in_dim3A_188 : vector<16xi32>
    %gather3A_190 = tpu.vector_load_idx %arg5[%min3A_189] : memref<8192xi32, #tpu.memory_space<vmem>>[vector<16xi32>], vector<16xi32>,
    %le3A_191 = arith.cmpi sle, %gather3A_190, %add3A_6 : vector<16xi32>
    %and3A_192 = arith.andi %le3A_191, %lt3A_182 : vector<16xi1>
    %gt3A_193 = arith.cmpi sgt, %gather3A_190, %add3A_6 : vector<16xi32>
    %and3A_194 = arith.andi %gt3A_193, %lt3A_182 : vector<16xi1>
    %add3A_195 = arith.constant 1 : i32
    %add3A_196 = vector.broadcast %add3A_195 : i32 to vector<16xi32>
    %add3A_197 = arith.addi %shift_right_arithmetic3A_186, %add3A_196 : vector<16xi32>
    %select_n3A_198 = arith.select %and3A_192, %add3A_197, %select_n3A_180 : vector<16xi1>, vector<16xi32>
    %select_n3A_199 = arith.select %and3A_194, %shift_right_arithmetic3A_186, %select_n3A_181 : vector<16xi1>, vector<16xi32>
    %lt3A_200 = arith.cmpi slt, %select_n3A_198, %select_n3A_199 : vector<16xi32>
    %add3A_201 = arith.addi %select_n3A_198, %select_n3A_199 : vector<16xi32>
    %shift_right_arithmetic3A_202 = arith.constant 1 : i32
    %shift_right_arithmetic3A_203 = vector.broadcast %shift_right_arithmetic3A_202 : i32 to vector<16xi32>
    %shift_right_arithmetic3A_204 = arith.shrsi %add3A_201, %shift_right_arithmetic3A_203 : vector<16xi32>
    %broadcast_in_dim3A_205 = arith.constant 8191 : i32
    %broadcast_in_dim3A_206 = vector.broadcast %broadcast_in_dim3A_205 : i32 to vector<16xi32>
    %min3A_207 = arith.minsi %shift_right_arithmetic3A_204, %broadcast_in_dim3A_206 : vector<16xi32>
    %gather3A_208 = tpu.vector_load_idx %arg5[%min3A_207] : memref<8192xi32, #tpu.memory_space<vmem>>[vector<16xi32>], vector<16xi32>,
    %le3A_209 = arith.cmpi sle, %gather3A_208, %add3A_6 : vector<16xi32>
    %and3A_210 = arith.andi %le3A_209, %lt3A_200 : vector<16xi1>
    %gt3A_211 = arith.cmpi sgt, %gather3A_208, %add3A_6 : vector<16xi32>
    %and3A_212 = arith.andi %gt3A_211, %lt3A_200 : vector<16xi1>
    %add3A_213 = arith.constant 1 : i32
    %add3A_214 = vector.broadcast %add3A_213 : i32 to vector<16xi32>
    %add3A_215 = arith.addi %shift_right_arithmetic3A_204, %add3A_214 : vector<16xi32>
    %select_n3A_216 = arith.select %and3A_210, %add3A_215, %select_n3A_198 : vector<16xi1>, vector<16xi32>
    %select_n3A_217 = arith.select %and3A_212, %shift_right_arithmetic3A_204, %select_n3A_199 : vector<16xi1>, vector<16xi32>
    %lt3A_218 = arith.cmpi slt, %select_n3A_216, %select_n3A_217 : vector<16xi32>
    %add3A_219 = arith.addi %select_n3A_216, %select_n3A_217 : vector<16xi32>
    %shift_right_arithmetic3A_220 = arith.constant 1 : i32
    %shift_right_arithmetic3A_221 = vector.broadcast %shift_right_arithmetic3A_220 : i32 to vector<16xi32>
    %shift_right_arithmetic3A_222 = arith.shrsi %add3A_219, %shift_right_arithmetic3A_221 : vector<16xi32>
    %broadcast_in_dim3A_223 = arith.constant 8191 : i32
    %broadcast_in_dim3A_224 = vector.broadcast %broadcast_in_dim3A_223 : i32 to vector<16xi32>
    %min3A_225 = arith.minsi %shift_right_arithmetic3A_222, %broadcast_in_dim3A_224 : vector<16xi32>
    %gather3A_226 = tpu.vector_load_idx %arg5[%min3A_225] : memref<8192xi32, #tpu.memory_space<vmem>>[vector<16xi32>], vector<16xi32>,
    %le3A_227 = arith.cmpi sle, %gather3A_226, %add3A_6 : vector<16xi32>
    %and3A_228 = arith.andi %le3A_227, %lt3A_218 : vector<16xi1>
    %gt3A_229 = arith.cmpi sgt, %gather3A_226, %add3A_6 : vector<16xi32>
    %and3A_230 = arith.andi %gt3A_229, %lt3A_218 : vector<16xi1>
    %add3A_231 = arith.constant 1 : i32
    %add3A_232 = vector.broadcast %add3A_231 : i32 to vector<16xi32>
    %add3A_233 = arith.addi %shift_right_arithmetic3A_222, %add3A_232 : vector<16xi32>
    %select_n3A_234 = arith.select %and3A_228, %add3A_233, %select_n3A_216 : vector<16xi1>, vector<16xi32>
    %select_n3A_235 = arith.select %and3A_230, %shift_right_arithmetic3A_222, %select_n3A_217 : vector<16xi1>, vector<16xi32>
    %sub3A = arith.constant 1 : i32
    %sub3A_236 = vector.broadcast %sub3A : i32 to vector<16xi32>
    %sub3A_237 = arith.subi %select_n3A_234, %sub3A_236 : vector<16xi32>
    %max3A = arith.constant 0 : i32
    %max3A_238 = vector.broadcast %max3A : i32 to vector<16xi32>
    %max3A_239 = arith.maxsi %sub3A_237, %max3A_238 : vector<16xi32>
    %gather3A_240 = tpu.vector_load_idx %arg5[%max3A_239] : memref<8192xi32, #tpu.memory_space<vmem>>[vector<16xi32>], vector<16xi32>,
    %ge3A = arith.constant 0 : i32
    %ge3A_241 = vector.broadcast %ge3A : i32 to vector<16xi32>
    %ge3A_242 = arith.cmpi sge, %sub3A_237, %ge3A_241 : vector<16xi32>
    %eq3A = arith.cmpi eq, %gather3A_240, %add3A_6 : vector<16xi32>
    %and3A_243 = arith.andi %ge3A_242, %eq3A : vector<16xi1>
    %broadcast_in_dim3A_244 = arith.constant 8192 : i32
    %broadcast_in_dim3A_245 = vector.broadcast %broadcast_in_dim3A_244 : i32 to vector<16xi32>
    %select_n3A_246 = arith.select %and3A_243, %sub3A_237, %broadcast_in_dim3A_245 : vector<16xi1>, vector<16xi32>
    %swap3A = arith.constant 0 : index
    %swap3A_247 = tpu.vector_load %arg6[%swap3A] {strides = array<i32>} : memref<64xi32, #tpu.memory_space<vmem>>, vector<16xi32>,
    tpu.vector_store %arg6[%swap3A], %select_n3A_246 {strides = array<i32>} : memref<64xi32, #tpu.memory_space<vmem>>, vector<16xi32>,
    %add3A_248 = arith.constant 16 : i32
    %add3A_249 = arith.addi %mul3A_2, %add3A_248 : i32
    %add3A_250 = vector.broadcast %add3A_249 : i32 to vector<16xi32>
    %add3A_251 = arith.addi %add3A_250, %iota3A : vector<16xi32>
    %broadcast_in_dim3A_252 = arith.constant 0 : i32
    %broadcast_in_dim3A_253 = vector.broadcast %broadcast_in_dim3A_252 : i32 to vector<16xi32>
    %broadcast_in_dim3A_254 = arith.constant 8192 : i32
    %broadcast_in_dim3A_255 = vector.broadcast %broadcast_in_dim3A_254 : i32 to vector<16xi32>
    %lt3A_256 = arith.cmpi slt, %broadcast_in_dim3A_253, %broadcast_in_dim3A_255 : vector<16xi32>
    %add3A_257 = arith.addi %broadcast_in_dim3A_253, %broadcast_in_dim3A_255 : vector<16xi32>
    %shift_right_arithmetic3A_258 = arith.constant 1 : i32
    %shift_right_arithmetic3A_259 = vector.broadcast %shift_right_arithmetic3A_258 : i32 to vector<16xi32>
    %shift_right_arithmetic3A_260 = arith.shrsi %add3A_257, %shift_right_arithmetic3A_259 : vector<16xi32>
    %broadcast_in_dim3A_261 = arith.constant 8191 : i32
    %broadcast_in_dim3A_262 = vector.broadcast %broadcast_in_dim3A_261 : i32 to vector<16xi32>
    %min3A_263 = arith.minsi %shift_right_arithmetic3A_260, %broadcast_in_dim3A_262 : vector<16xi32>
    %gather3A_264 = tpu.vector_load_idx %arg5[%min3A_263] : memref<8192xi32, #tpu.memory_space<vmem>>[vector<16xi32>], vector<16xi32>,
    %le3A_265 = arith.cmpi sle, %gather3A_264, %add3A_251 : vector<16xi32>
    %and3A_266 = arith.andi %le3A_265, %lt3A_256 : vector<16xi1>
    %gt3A_267 = arith.cmpi sgt, %gather3A_264, %add3A_251 : vector<16xi32>
    %and3A_268 = arith.andi %gt3A_267, %lt3A_256 : vector<16xi1>
    %add3A_269 = arith.constant 1 : i32
    %add3A_270 = vector.broadcast %add3A_269 : i32 to vector<16xi32>
    %add3A_271 = arith.addi %shift_right_arithmetic3A_260, %add3A_270 : vector<16xi32>
    %select_n3A_272 = arith.select %and3A_266, %add3A_271, %broadcast_in_dim3A_253 : vector<16xi1>, vector<16xi32>
    %select_n3A_273 = arith.select %and3A_268, %shift_right_arithmetic3A_260, %broadcast_in_dim3A_255 : vector<16xi1>, vector<16xi32>
    %lt3A_274 = arith.cmpi slt, %select_n3A_272, %select_n3A_273 : vector<16xi32>
    %add3A_275 = arith.addi %select_n3A_272, %select_n3A_273 : vector<16xi32>
    %shift_right_arithmetic3A_276 = arith.constant 1 : i32
    %shift_right_arithmetic3A_277 = vector.broadcast %shift_right_arithmetic3A_276 : i32 to vector<16xi32>
    %shift_right_arithmetic3A_278 = arith.shrsi %add3A_275, %shift_right_arithmetic3A_277 : vector<16xi32>
    %broadcast_in_dim3A_279 = arith.constant 8191 : i32
    %broadcast_in_dim3A_280 = vector.broadcast %broadcast_in_dim3A_279 : i32 to vector<16xi32>
    %min3A_281 = arith.minsi %shift_right_arithmetic3A_278, %broadcast_in_dim3A_280 : vector<16xi32>
    %gather3A_282 = tpu.vector_load_idx %arg5[%min3A_281] : memref<8192xi32, #tpu.memory_space<vmem>>[vector<16xi32>], vector<16xi32>,
    %le3A_283 = arith.cmpi sle, %gather3A_282, %add3A_251 : vector<16xi32>
    %and3A_284 = arith.andi %le3A_283, %lt3A_274 : vector<16xi1>
    %gt3A_285 = arith.cmpi sgt, %gather3A_282, %add3A_251 : vector<16xi32>
    %and3A_286 = arith.andi %gt3A_285, %lt3A_274 : vector<16xi1>
    %add3A_287 = arith.constant 1 : i32
    %add3A_288 = vector.broadcast %add3A_287 : i32 to vector<16xi32>
    %add3A_289 = arith.addi %shift_right_arithmetic3A_278, %add3A_288 : vector<16xi32>
    %select_n3A_290 = arith.select %and3A_284, %add3A_289, %select_n3A_272 : vector<16xi1>, vector<16xi32>
    %select_n3A_291 = arith.select %and3A_286, %shift_right_arithmetic3A_278, %select_n3A_273 : vector<16xi1>, vector<16xi32>
    %lt3A_292 = arith.cmpi slt, %select_n3A_290, %select_n3A_291 : vector<16xi32>
    %add3A_293 = arith.addi %select_n3A_290, %select_n3A_291 : vector<16xi32>
    %shift_right_arithmetic3A_294 = arith.constant 1 : i32
    %shift_right_arithmetic3A_295 = vector.broadcast %shift_right_arithmetic3A_294 : i32 to vector<16xi32>
    %shift_right_arithmetic3A_296 = arith.shrsi %add3A_293, %shift_right_arithmetic3A_295 : vector<16xi32>
    %broadcast_in_dim3A_297 = arith.constant 8191 : i32
    %broadcast_in_dim3A_298 = vector.broadcast %broadcast_in_dim3A_297 : i32 to vector<16xi32>
    %min3A_299 = arith.minsi %shift_right_arithmetic3A_296, %broadcast_in_dim3A_298 : vector<16xi32>
    %gather3A_300 = tpu.vector_load_idx %arg5[%min3A_299] : memref<8192xi32, #tpu.memory_space<vmem>>[vector<16xi32>], vector<16xi32>,
    %le3A_301 = arith.cmpi sle, %gather3A_300, %add3A_251 : vector<16xi32>
    %and3A_302 = arith.andi %le3A_301, %lt3A_292 : vector<16xi1>
    %gt3A_303 = arith.cmpi sgt, %gather3A_300, %add3A_251 : vector<16xi32>
    %and3A_304 = arith.andi %gt3A_303, %lt3A_292 : vector<16xi1>
    %add3A_305 = arith.constant 1 : i32
    %add3A_306 = vector.broadcast %add3A_305 : i32 to vector<16xi32>
    %add3A_307 = arith.addi %shift_right_arithmetic3A_296, %add3A_306 : vector<16xi32>
    %select_n3A_308 = arith.select %and3A_302, %add3A_307, %select_n3A_290 : vector<16xi1>, vector<16xi32>
    %select_n3A_309 = arith.select %and3A_304, %shift_right_arithmetic3A_296, %select_n3A_291 : vector<16xi1>, vector<16xi32>
    %lt3A_310 = arith.cmpi slt, %select_n3A_308, %select_n3A_309 : vector<16xi32>
    %add3A_311 = arith.addi %select_n3A_308, %select_n3A_309 : vector<16xi32>
    %shift_right_arithmetic3A_312 = arith.constant 1 : i32
    %shift_right_arithmetic3A_313 = vector.broadcast %shift_right_arithmetic3A_312 : i32 to vector<16xi32>
    %shift_right_arithmetic3A_314 = arith.shrsi %add3A_311, %shift_right_arithmetic3A_313 : vector<16xi32>
    %broadcast_in_dim3A_315 = arith.constant 8191 : i32
    %broadcast_in_dim3A_316 = vector.broadcast %broadcast_in_dim3A_315 : i32 to vector<16xi32>
    %min3A_317 = arith.minsi %shift_right_arithmetic3A_314, %broadcast_in_dim3A_316 : vector<16xi32>
    %gather3A_318 = tpu.vector_load_idx %arg5[%min3A_317] : memref<8192xi32, #tpu.memory_space<vmem>>[vector<16xi32>], vector<16xi32>,
    %le3A_319 = arith.cmpi sle, %gather3A_318, %add3A_251 : vector<16xi32>
    %and3A_320 = arith.andi %le3A_319, %lt3A_310 : vector<16xi1>
    %gt3A_321 = arith.cmpi sgt, %gather3A_318, %add3A_251 : vector<16xi32>
    %and3A_322 = arith.andi %gt3A_321, %lt3A_310 : vector<16xi1>
    %add3A_323 = arith.constant 1 : i32
    %add3A_324 = vector.broadcast %add3A_323 : i32 to vector<16xi32>
    %add3A_325 = arith.addi %shift_right_arithmetic3A_314, %add3A_324 : vector<16xi32>
    %select_n3A_326 = arith.select %and3A_320, %add3A_325, %select_n3A_308 : vector<16xi1>, vector<16xi32>
    %select_n3A_327 = arith.select %and3A_322, %shift_right_arithmetic3A_314, %select_n3A_309 : vector<16xi1>, vector<16xi32>
    %lt3A_328 = arith.cmpi slt, %select_n3A_326, %select_n3A_327 : vector<16xi32>
    %add3A_329 = arith.addi %select_n3A_326, %select_n3A_327 : vector<16xi32>
    %shift_right_arithmetic3A_330 = arith.constant 1 : i32
    %shift_right_arithmetic3A_331 = vector.broadcast %shift_right_arithmetic3A_330 : i32 to vector<16xi32>
    %shift_right_arithmetic3A_332 = arith.shrsi %add3A_329, %shift_right_arithmetic3A_331 : vector<16xi32>
    %broadcast_in_dim3A_333 = arith.constant 8191 : i32
    %broadcast_in_dim3A_334 = vector.broadcast %broadcast_in_dim3A_333 : i32 to vector<16xi32>
    %min3A_335 = arith.minsi %shift_right_arithmetic3A_332, %broadcast_in_dim3A_334 : vector<16xi32>
    %gather3A_336 = tpu.vector_load_idx %arg5[%min3A_335] : memref<8192xi32, #tpu.memory_space<vmem>>[vector<16xi32>], vector<16xi32>,
    %le3A_337 = arith.cmpi sle, %gather3A_336, %add3A_251 : vector<16xi32>
    %and3A_338 = arith.andi %le3A_337, %lt3A_328 : vector<16xi1>
    %gt3A_339 = arith.cmpi sgt, %gather3A_336, %add3A_251 : vector<16xi32>
    %and3A_340 = arith.andi %gt3A_339, %lt3A_328 : vector<16xi1>
    %add3A_341 = arith.constant 1 : i32
    %add3A_342 = vector.broadcast %add3A_341 : i32 to vector<16xi32>
    %add3A_343 = arith.addi %shift_right_arithmetic3A_332, %add3A_342 : vector<16xi32>
    %select_n3A_344 = arith.select %and3A_338, %add3A_343, %select_n3A_326 : vector<16xi1>, vector<16xi32>
    %select_n3A_345 = arith.select %and3A_340, %shift_right_arithmetic3A_332, %select_n3A_327 : vector<16xi1>, vector<16xi32>
    %lt3A_346 = arith.cmpi slt, %select_n3A_344, %select_n3A_345 : vector<16xi32>
    %add3A_347 = arith.addi %select_n3A_344, %select_n3A_345 : vector<16xi32>
    %shift_right_arithmetic3A_348 = arith.constant 1 : i32
    %shift_right_arithmetic3A_349 = vector.broadcast %shift_right_arithmetic3A_348 : i32 to vector<16xi32>
    %shift_right_arithmetic3A_350 = arith.shrsi %add3A_347, %shift_right_arithmetic3A_349 : vector<16xi32>
    %broadcast_in_dim3A_351 = arith.constant 8191 : i32
    %broadcast_in_dim3A_352 = vector.broadcast %broadcast_in_dim3A_351 : i32 to vector<16xi32>
    %min3A_353 = arith.minsi %shift_right_arithmetic3A_350, %broadcast_in_dim3A_352 : vector<16xi32>
    %gather3A_354 = tpu.vector_load_idx %arg5[%min3A_353] : memref<8192xi32, #tpu.memory_space<vmem>>[vector<16xi32>], vector<16xi32>,
    %le3A_355 = arith.cmpi sle, %gather3A_354, %add3A_251 : vector<16xi32>
    %and3A_356 = arith.andi %le3A_355, %lt3A_346 : vector<16xi1>
    %gt3A_357 = arith.cmpi sgt, %gather3A_354, %add3A_251 : vector<16xi32>
    %and3A_358 = arith.andi %gt3A_357, %lt3A_346 : vector<16xi1>
    %add3A_359 = arith.constant 1 : i32
    %add3A_360 = vector.broadcast %add3A_359 : i32 to vector<16xi32>
    %add3A_361 = arith.addi %shift_right_arithmetic3A_350, %add3A_360 : vector<16xi32>
    %select_n3A_362 = arith.select %and3A_356, %add3A_361, %select_n3A_344 : vector<16xi1>, vector<16xi32>
    %select_n3A_363 = arith.select %and3A_358, %shift_right_arithmetic3A_350, %select_n3A_345 : vector<16xi1>, vector<16xi32>
    %lt3A_364 = arith.cmpi slt, %select_n3A_362, %select_n3A_363 : vector<16xi32>
    %add3A_365 = arith.addi %select_n3A_362, %select_n3A_363 : vector<16xi32>
    %shift_right_arithmetic3A_366 = arith.constant 1 : i32
    %shift_right_arithmetic3A_367 = vector.broadcast %shift_right_arithmetic3A_366 : i32 to vector<16xi32>
    %shift_right_arithmetic3A_368 = arith.shrsi %add3A_365, %shift_right_arithmetic3A_367 : vector<16xi32>
    %broadcast_in_dim3A_369 = arith.constant 8191 : i32
    %broadcast_in_dim3A_370 = vector.broadcast %broadcast_in_dim3A_369 : i32 to vector<16xi32>
    %min3A_371 = arith.minsi %shift_right_arithmetic3A_368, %broadcast_in_dim3A_370 : vector<16xi32>
    %gather3A_372 = tpu.vector_load_idx %arg5[%min3A_371] : memref<8192xi32, #tpu.memory_space<vmem>>[vector<16xi32>], vector<16xi32>,
    %le3A_373 = arith.cmpi sle, %gather3A_372, %add3A_251 : vector<16xi32>
    %and3A_374 = arith.andi %le3A_373, %lt3A_364 : vector<16xi1>
    %gt3A_375 = arith.cmpi sgt, %gather3A_372, %add3A_251 : vector<16xi32>
    %and3A_376 = arith.andi %gt3A_375, %lt3A_364 : vector<16xi1>
    %add3A_377 = arith.constant 1 : i32
    %add3A_378 = vector.broadcast %add3A_377 : i32 to vector<16xi32>
    %add3A_379 = arith.addi %shift_right_arithmetic3A_368, %add3A_378 : vector<16xi32>
    %select_n3A_380 = arith.select %and3A_374, %add3A_379, %select_n3A_362 : vector<16xi1>, vector<16xi32>
    %select_n3A_381 = arith.select %and3A_376, %shift_right_arithmetic3A_368, %select_n3A_363 : vector<16xi1>, vector<16xi32>
    %lt3A_382 = arith.cmpi slt, %select_n3A_380, %select_n3A_381 : vector<16xi32>
    %add3A_383 = arith.addi %select_n3A_380, %select_n3A_381 : vector<16xi32>
    %shift_right_arithmetic3A_384 = arith.constant 1 : i32
    %shift_right_arithmetic3A_385 = vector.broadcast %shift_right_arithmetic3A_384 : i32 to vector<16xi32>
    %shift_right_arithmetic3A_386 = arith.shrsi %add3A_383, %shift_right_arithmetic3A_385 : vector<16xi32>
    %broadcast_in_dim3A_387 = arith.constant 8191 : i32
    %broadcast_in_dim3A_388 = vector.broadcast %broadcast_in_dim3A_387 : i32 to vector<16xi32>
    %min3A_389 = arith.minsi %shift_right_arithmetic3A_386, %broadcast_in_dim3A_388 : vector<16xi32>
    %gather3A_390 = tpu.vector_load_idx %arg5[%min3A_389] : memref<8192xi32, #tpu.memory_space<vmem>>[vector<16xi32>], vector<16xi32>,
    %le3A_391 = arith.cmpi sle, %gather3A_390, %add3A_251 : vector<16xi32>
    %and3A_392 = arith.andi %le3A_391, %lt3A_382 : vector<16xi1>
    %gt3A_393 = arith.cmpi sgt, %gather3A_390, %add3A_251 : vector<16xi32>
    %and3A_394 = arith.andi %gt3A_393, %lt3A_382 : vector<16xi1>
    %add3A_395 = arith.constant 1 : i32
    %add3A_396 = vector.broadcast %add3A_395 : i32 to vector<16xi32>
    %add3A_397 = arith.addi %shift_right_arithmetic3A_386, %add3A_396 : vector<16xi32>
    %select_n3A_398 = arith.select %and3A_392, %add3A_397, %select_n3A_380 : vector<16xi1>, vector<16xi32>
    %select_n3A_399 = arith.select %and3A_394, %shift_right_arithmetic3A_386, %select_n3A_381 : vector<16xi1>, vector<16xi32>
    %lt3A_400 = arith.cmpi slt, %select_n3A_398, %select_n3A_399 : vector<16xi32>
    %add3A_401 = arith.addi %select_n3A_398, %select_n3A_399 : vector<16xi32>
    %shift_right_arithmetic3A_402 = arith.constant 1 : i32
    %shift_right_arithmetic3A_403 = vector.broadcast %shift_right_arithmetic3A_402 : i32 to vector<16xi32>
    %shift_right_arithmetic3A_404 = arith.shrsi %add3A_401, %shift_right_arithmetic3A_403 : vector<16xi32>
    %broadcast_in_dim3A_405 = arith.constant 8191 : i32
    %broadcast_in_dim3A_406 = vector.broadcast %broadcast_in_dim3A_405 : i32 to vector<16xi32>
    %min3A_407 = arith.minsi %shift_right_arithmetic3A_404, %broadcast_in_dim3A_406 : vector<16xi32>
    %gather3A_408 = tpu.vector_load_idx %arg5[%min3A_407] : memref<8192xi32, #tpu.memory_space<vmem>>[vector<16xi32>], vector<16xi32>,
    %le3A_409 = arith.cmpi sle, %gather3A_408, %add3A_251 : vector<16xi32>
    %and3A_410 = arith.andi %le3A_409, %lt3A_400 : vector<16xi1>
    %gt3A_411 = arith.cmpi sgt, %gather3A_408, %add3A_251 : vector<16xi32>
    %and3A_412 = arith.andi %gt3A_411, %lt3A_400 : vector<16xi1>
    %add3A_413 = arith.constant 1 : i32
    %add3A_414 = vector.broadcast %add3A_413 : i32 to vector<16xi32>
    %add3A_415 = arith.addi %shift_right_arithmetic3A_404, %add3A_414 : vector<16xi32>
    %select_n3A_416 = arith.select %and3A_410, %add3A_415, %select_n3A_398 : vector<16xi1>, vector<16xi32>
    %select_n3A_417 = arith.select %and3A_412, %shift_right_arithmetic3A_404, %select_n3A_399 : vector<16xi1>, vector<16xi32>
    %lt3A_418 = arith.cmpi slt, %select_n3A_416, %select_n3A_417 : vector<16xi32>
    %add3A_419 = arith.addi %select_n3A_416, %select_n3A_417 : vector<16xi32>
    %shift_right_arithmetic3A_420 = arith.constant 1 : i32
    %shift_right_arithmetic3A_421 = vector.broadcast %shift_right_arithmetic3A_420 : i32 to vector<16xi32>
    %shift_right_arithmetic3A_422 = arith.shrsi %add3A_419, %shift_right_arithmetic3A_421 : vector<16xi32>
    %broadcast_in_dim3A_423 = arith.constant 8191 : i32
    %broadcast_in_dim3A_424 = vector.broadcast %broadcast_in_dim3A_423 : i32 to vector<16xi32>
    %min3A_425 = arith.minsi %shift_right_arithmetic3A_422, %broadcast_in_dim3A_424 : vector<16xi32>
    %gather3A_426 = tpu.vector_load_idx %arg5[%min3A_425] : memref<8192xi32, #tpu.memory_space<vmem>>[vector<16xi32>], vector<16xi32>,
    %le3A_427 = arith.cmpi sle, %gather3A_426, %add3A_251 : vector<16xi32>
    %and3A_428 = arith.andi %le3A_427, %lt3A_418 : vector<16xi1>
    %gt3A_429 = arith.cmpi sgt, %gather3A_426, %add3A_251 : vector<16xi32>
    %and3A_430 = arith.andi %gt3A_429, %lt3A_418 : vector<16xi1>
    %add3A_431 = arith.constant 1 : i32
    %add3A_432 = vector.broadcast %add3A_431 : i32 to vector<16xi32>
    %add3A_433 = arith.addi %shift_right_arithmetic3A_422, %add3A_432 : vector<16xi32>
    %select_n3A_434 = arith.select %and3A_428, %add3A_433, %select_n3A_416 : vector<16xi1>, vector<16xi32>
    %select_n3A_435 = arith.select %and3A_430, %shift_right_arithmetic3A_422, %select_n3A_417 : vector<16xi1>, vector<16xi32>
    %lt3A_436 = arith.cmpi slt, %select_n3A_434, %select_n3A_435 : vector<16xi32>
    %add3A_437 = arith.addi %select_n3A_434, %select_n3A_435 : vector<16xi32>
    %shift_right_arithmetic3A_438 = arith.constant 1 : i32
    %shift_right_arithmetic3A_439 = vector.broadcast %shift_right_arithmetic3A_438 : i32 to vector<16xi32>
    %shift_right_arithmetic3A_440 = arith.shrsi %add3A_437, %shift_right_arithmetic3A_439 : vector<16xi32>
    %broadcast_in_dim3A_441 = arith.constant 8191 : i32
    %broadcast_in_dim3A_442 = vector.broadcast %broadcast_in_dim3A_441 : i32 to vector<16xi32>
    %min3A_443 = arith.minsi %shift_right_arithmetic3A_440, %broadcast_in_dim3A_442 : vector<16xi32>
    %gather3A_444 = tpu.vector_load_idx %arg5[%min3A_443] : memref<8192xi32, #tpu.memory_space<vmem>>[vector<16xi32>], vector<16xi32>,
    %le3A_445 = arith.cmpi sle, %gather3A_444, %add3A_251 : vector<16xi32>
    %and3A_446 = arith.andi %le3A_445, %lt3A_436 : vector<16xi1>
    %gt3A_447 = arith.cmpi sgt, %gather3A_444, %add3A_251 : vector<16xi32>
    %and3A_448 = arith.andi %gt3A_447, %lt3A_436 : vector<16xi1>
    %add3A_449 = arith.constant 1 : i32
    %add3A_450 = vector.broadcast %add3A_449 : i32 to vector<16xi32>
    %add3A_451 = arith.addi %shift_right_arithmetic3A_440, %add3A_450 : vector<16xi32>
    %select_n3A_452 = arith.select %and3A_446, %add3A_451, %select_n3A_434 : vector<16xi1>, vector<16xi32>
    %select_n3A_453 = arith.select %and3A_448, %shift_right_arithmetic3A_440, %select_n3A_435 : vector<16xi1>, vector<16xi32>
    %lt3A_454 = arith.cmpi slt, %select_n3A_452, %select_n3A_453 : vector<16xi32>
    %add3A_455 = arith.addi %select_n3A_452, %select_n3A_453 : vector<16xi32>
    %shift_right_arithmetic3A_456 = arith.constant 1 : i32
    %shift_right_arithmetic3A_457 = vector.broadcast %shift_right_arithmetic3A_456 : i32 to vector<16xi32>
    %shift_right_arithmetic3A_458 = arith.shrsi %add3A_455, %shift_right_arithmetic3A_457 : vector<16xi32>
    %broadcast_in_dim3A_459 = arith.constant 8191 : i32
    %broadcast_in_dim3A_460 = vector.broadcast %broadcast_in_dim3A_459 : i32 to vector<16xi32>
    %min3A_461 = arith.minsi %shift_right_arithmetic3A_458, %broadcast_in_dim3A_460 : vector<16xi32>
    %gather3A_462 = tpu.vector_load_idx %arg5[%min3A_461] : memref<8192xi32, #tpu.memory_space<vmem>>[vector<16xi32>], vector<16xi32>,
    %le3A_463 = arith.cmpi sle, %gather3A_462, %add3A_251 : vector<16xi32>
    %and3A_464 = arith.andi %le3A_463, %lt3A_454 : vector<16xi1>
    %gt3A_465 = arith.cmpi sgt, %gather3A_462, %add3A_251 : vector<16xi32>
    %and3A_466 = arith.andi %gt3A_465, %lt3A_454 : vector<16xi1>
    %add3A_467 = arith.constant 1 : i32
    %add3A_468 = vector.broadcast %add3A_467 : i32 to vector<16xi32>
    %add3A_469 = arith.addi %shift_right_arithmetic3A_458, %add3A_468 : vector<16xi32>
    %select_n3A_470 = arith.select %and3A_464, %add3A_469, %select_n3A_452 : vector<16xi1>, vector<16xi32>
    %select_n3A_471 = arith.select %and3A_466, %shift_right_arithmetic3A_458, %select_n3A_453 : vector<16xi1>, vector<16xi32>
    %lt3A_472 = arith.cmpi slt, %select_n3A_470, %select_n3A_471 : vector<16xi32>
    %add3A_473 = arith.addi %select_n3A_470, %select_n3A_471 : vector<16xi32>
    %shift_right_arithmetic3A_474 = arith.constant 1 : i32
    %shift_right_arithmetic3A_475 = vector.broadcast %shift_right_arithmetic3A_474 : i32 to vector<16xi32>
    %shift_right_arithmetic3A_476 = arith.shrsi %add3A_473, %shift_right_arithmetic3A_475 : vector<16xi32>
    %broadcast_in_dim3A_477 = arith.constant 8191 : i32
    %broadcast_in_dim3A_478 = vector.broadcast %broadcast_in_dim3A_477 : i32 to vector<16xi32>
    %min3A_479 = arith.minsi %shift_right_arithmetic3A_476, %broadcast_in_dim3A_478 : vector<16xi32>
    %gather3A_480 = tpu.vector_load_idx %arg5[%min3A_479] : memref<8192xi32, #tpu.memory_space<vmem>>[vector<16xi32>], vector<16xi32>,
    %le3A_481 = arith.cmpi sle, %gather3A_480, %add3A_251 : vector<16xi32>
    %and3A_482 = arith.andi %le3A_481, %lt3A_472 : vector<16xi1>
    %gt3A_483 = arith.cmpi sgt, %gather3A_480, %add3A_251 : vector<16xi32>
    %and3A_484 = arith.andi %gt3A_483, %lt3A_472 : vector<16xi1>
    %add3A_485 = arith.constant 1 : i32
    %add3A_486 = vector.broadcast %add3A_485 : i32 to vector<16xi32>
    %add3A_487 = arith.addi %shift_right_arithmetic3A_476, %add3A_486 : vector<16xi32>
    %select_n3A_488 = arith.select %and3A_482, %add3A_487, %select_n3A_470 : vector<16xi1>, vector<16xi32>
    %select_n3A_489 = arith.select %and3A_484, %shift_right_arithmetic3A_476, %select_n3A_471 : vector<16xi1>, vector<16xi32>
    %sub3A_490 = arith.constant 1 : i32
    %sub3A_491 = vector.broadcast %sub3A_490 : i32 to vector<16xi32>
    %sub3A_492 = arith.subi %select_n3A_488, %sub3A_491 : vector<16xi32>
    %max3A_493 = arith.constant 0 : i32
    %max3A_494 = vector.broadcast %max3A_493 : i32 to vector<16xi32>
    %max3A_495 = arith.maxsi %sub3A_492, %max3A_494 : vector<16xi32>
    %gather3A_496 = tpu.vector_load_idx %arg5[%max3A_495] : memref<8192xi32, #tpu.memory_space<vmem>>[vector<16xi32>], vector<16xi32>,
    %ge3A_497 = arith.constant 0 : i32
    %ge3A_498 = vector.broadcast %ge3A_497 : i32 to vector<16xi32>
    %ge3A_499 = arith.cmpi sge, %sub3A_492, %ge3A_498 : vector<16xi32>
    %eq3A_500 = arith.cmpi eq, %gather3A_496, %add3A_251 : vector<16xi32>
    %and3A_501 = arith.andi %ge3A_499, %eq3A_500 : vector<16xi1>
    %broadcast_in_dim3A_502 = arith.constant 8192 : i32
    %broadcast_in_dim3A_503 = vector.broadcast %broadcast_in_dim3A_502 : i32 to vector<16xi32>
    %select_n3A_504 = arith.select %and3A_501, %sub3A_492, %broadcast_in_dim3A_503 : vector<16xi1>, vector<16xi32>
    %swap3A_505 = arith.constant 16 : index
    %swap3A_506 = tpu.vector_load %arg6[%swap3A_505] {strides = array<i32>} : memref<64xi32, #tpu.memory_space<vmem>>, vector<16xi32>,
    tpu.vector_store %arg6[%swap3A_505], %select_n3A_504 {strides = array<i32>} : memref<64xi32, #tpu.memory_space<vmem>>, vector<16xi32>,
    %add3A_507 = arith.constant 32 : i32
    %add3A_508 = arith.addi %mul3A_2, %add3A_507 : i32
    %add3A_509 = vector.broadcast %add3A_508 : i32 to vector<16xi32>
    %add3A_510 = arith.addi %add3A_509, %iota3A : vector<16xi32>
    %broadcast_in_dim3A_511 = arith.constant 0 : i32
    %broadcast_in_dim3A_512 = vector.broadcast %broadcast_in_dim3A_511 : i32 to vector<16xi32>
    %broadcast_in_dim3A_513 = arith.constant 8192 : i32
    %broadcast_in_dim3A_514 = vector.broadcast %broadcast_in_dim3A_513 : i32 to vector<16xi32>
    %lt3A_515 = arith.cmpi slt, %broadcast_in_dim3A_512, %broadcast_in_dim3A_514 : vector<16xi32>
    %add3A_516 = arith.addi %broadcast_in_dim3A_512, %broadcast_in_dim3A_514 : vector<16xi32>
    %shift_right_arithmetic3A_517 = arith.constant 1 : i32
    %shift_right_arithmetic3A_518 = vector.broadcast %shift_right_arithmetic3A_517 : i32 to vector<16xi32>
    %shift_right_arithmetic3A_519 = arith.shrsi %add3A_516, %shift_right_arithmetic3A_518 : vector<16xi32>
    %broadcast_in_dim3A_520 = arith.constant 8191 : i32
    %broadcast_in_dim3A_521 = vector.broadcast %broadcast_in_dim3A_520 : i32 to vector<16xi32>
    %min3A_522 = arith.minsi %shift_right_arithmetic3A_519, %broadcast_in_dim3A_521 : vector<16xi32>
    %gather3A_523 = tpu.vector_load_idx %arg5[%min3A_522] : memref<8192xi32, #tpu.memory_space<vmem>>[vector<16xi32>], vector<16xi32>,
    %le3A_524 = arith.cmpi sle, %gather3A_523, %add3A_510 : vector<16xi32>
    %and3A_525 = arith.andi %le3A_524, %lt3A_515 : vector<16xi1>
    %gt3A_526 = arith.cmpi sgt, %gather3A_523, %add3A_510 : vector<16xi32>
    %and3A_527 = arith.andi %gt3A_526, %lt3A_515 : vector<16xi1>
    %add3A_528 = arith.constant 1 : i32
    %add3A_529 = vector.broadcast %add3A_528 : i32 to vector<16xi32>
    %add3A_530 = arith.addi %shift_right_arithmetic3A_519, %add3A_529 : vector<16xi32>
    %select_n3A_531 = arith.select %and3A_525, %add3A_530, %broadcast_in_dim3A_512 : vector<16xi1>, vector<16xi32>
    %select_n3A_532 = arith.select %and3A_527, %shift_right_arithmetic3A_519, %broadcast_in_dim3A_514 : vector<16xi1>, vector<16xi32>
    %lt3A_533 = arith.cmpi slt, %select_n3A_531, %select_n3A_532 : vector<16xi32>
    %add3A_534 = arith.addi %select_n3A_531, %select_n3A_532 : vector<16xi32>
    %shift_right_arithmetic3A_535 = arith.constant 1 : i32
    %shift_right_arithmetic3A_536 = vector.broadcast %shift_right_arithmetic3A_535 : i32 to vector<16xi32>
    %shift_right_arithmetic3A_537 = arith.shrsi %add3A_534, %shift_right_arithmetic3A_536 : vector<16xi32>
    %broadcast_in_dim3A_538 = arith.constant 8191 : i32
    %broadcast_in_dim3A_539 = vector.broadcast %broadcast_in_dim3A_538 : i32 to vector<16xi32>
    %min3A_540 = arith.minsi %shift_right_arithmetic3A_537, %broadcast_in_dim3A_539 : vector<16xi32>
    %gather3A_541 = tpu.vector_load_idx %arg5[%min3A_540] : memref<8192xi32, #tpu.memory_space<vmem>>[vector<16xi32>], vector<16xi32>,
    %le3A_542 = arith.cmpi sle, %gather3A_541, %add3A_510 : vector<16xi32>
    %and3A_543 = arith.andi %le3A_542, %lt3A_533 : vector<16xi1>
    %gt3A_544 = arith.cmpi sgt, %gather3A_541, %add3A_510 : vector<16xi32>
    %and3A_545 = arith.andi %gt3A_544, %lt3A_533 : vector<16xi1>
    %add3A_546 = arith.constant 1 : i32
    %add3A_547 = vector.broadcast %add3A_546 : i32 to vector<16xi32>
    %add3A_548 = arith.addi %shift_right_arithmetic3A_537, %add3A_547 : vector<16xi32>
    %select_n3A_549 = arith.select %and3A_543, %add3A_548, %select_n3A_531 : vector<16xi1>, vector<16xi32>
    %select_n3A_550 = arith.select %and3A_545, %shift_right_arithmetic3A_537, %select_n3A_532 : vector<16xi1>, vector<16xi32>
    %lt3A_551 = arith.cmpi slt, %select_n3A_549, %select_n3A_550 : vector<16xi32>
    %add3A_552 = arith.addi %select_n3A_549, %select_n3A_550 : vector<16xi32>
    %shift_right_arithmetic3A_553 = arith.constant 1 : i32
    %shift_right_arithmetic3A_554 = vector.broadcast %shift_right_arithmetic3A_553 : i32 to vector<16xi32>
    %shift_right_arithmetic3A_555 = arith.shrsi %add3A_552, %shift_right_arithmetic3A_554 : vector<16xi32>
    %broadcast_in_dim3A_556 = arith.constant 8191 : i32
    %broadcast_in_dim3A_557 = vector.broadcast %broadcast_in_dim3A_556 : i32 to vector<16xi32>
    %min3A_558 = arith.minsi %shift_right_arithmetic3A_555, %broadcast_in_dim3A_557 : vector<16xi32>
    %gather3A_559 = tpu.vector_load_idx %arg5[%min3A_558] : memref<8192xi32, #tpu.memory_space<vmem>>[vector<16xi32>], vector<16xi32>,
    %le3A_560 = arith.cmpi sle, %gather3A_559, %add3A_510 : vector<16xi32>
    %and3A_561 = arith.andi %le3A_560, %lt3A_551 : vector<16xi1>
    %gt3A_562 = arith.cmpi sgt, %gather3A_559, %add3A_510 : vector<16xi32>
    %and3A_563 = arith.andi %gt3A_562, %lt3A_551 : vector<16xi1>
    %add3A_564 = arith.constant 1 : i32
    %add3A_565 = vector.broadcast %add3A_564 : i32 to vector<16xi32>
    %add3A_566 = arith.addi %shift_right_arithmetic3A_555, %add3A_565 : vector<16xi32>
    %select_n3A_567 = arith.select %and3A_561, %add3A_566, %select_n3A_549 : vector<16xi1>, vector<16xi32>
    %select_n3A_568 = arith.select %and3A_563, %shift_right_arithmetic3A_555, %select_n3A_550 : vector<16xi1>, vector<16xi32>
    %lt3A_569 = arith.cmpi slt, %select_n3A_567, %select_n3A_568 : vector<16xi32>
    %add3A_570 = arith.addi %select_n3A_567, %select_n3A_568 : vector<16xi32>
    %shift_right_arithmetic3A_571 = arith.constant 1 : i32
    %shift_right_arithmetic3A_572 = vector.broadcast %shift_right_arithmetic3A_571 : i32 to vector<16xi32>
    %shift_right_arithmetic3A_573 = arith.shrsi %add3A_570, %shift_right_arithmetic3A_572 : vector<16xi32>
    %broadcast_in_dim3A_574 = arith.constant 8191 : i32
    %broadcast_in_dim3A_575 = vector.broadcast %broadcast_in_dim3A_574 : i32 to vector<16xi32>
    %min3A_576 = arith.minsi %shift_right_arithmetic3A_573, %broadcast_in_dim3A_575 : vector<16xi32>
    %gather3A_577 = tpu.vector_load_idx %arg5[%min3A_576] : memref<8192xi32, #tpu.memory_space<vmem>>[vector<16xi32>], vector<16xi32>,
    %le3A_578 = arith.cmpi sle, %gather3A_577, %add3A_510 : vector<16xi32>
    %and3A_579 = arith.andi %le3A_578, %lt3A_569 : vector<16xi1>
    %gt3A_580 = arith.cmpi sgt, %gather3A_577, %add3A_510 : vector<16xi32>
    %and3A_581 = arith.andi %gt3A_580, %lt3A_569 : vector<16xi1>
    %add3A_582 = arith.constant 1 : i32
    %add3A_583 = vector.broadcast %add3A_582 : i32 to vector<16xi32>
    %add3A_584 = arith.addi %shift_right_arithmetic3A_573, %add3A_583 : vector<16xi32>
    %select_n3A_585 = arith.select %and3A_579, %add3A_584, %select_n3A_567 : vector<16xi1>, vector<16xi32>
    %select_n3A_586 = arith.select %and3A_581, %shift_right_arithmetic3A_573, %select_n3A_568 : vector<16xi1>, vector<16xi32>
    %lt3A_587 = arith.cmpi slt, %select_n3A_585, %select_n3A_586 : vector<16xi32>
    %add3A_588 = arith.addi %select_n3A_585, %select_n3A_586 : vector<16xi32>
    %shift_right_arithmetic3A_589 = arith.constant 1 : i32
    %shift_right_arithmetic3A_590 = vector.broadcast %shift_right_arithmetic3A_589 : i32 to vector<16xi32>
    %shift_right_arithmetic3A_591 = arith.shrsi %add3A_588, %shift_right_arithmetic3A_590 : vector<16xi32>
    %broadcast_in_dim3A_592 = arith.constant 8191 : i32
    %broadcast_in_dim3A_593 = vector.broadcast %broadcast_in_dim3A_592 : i32 to vector<16xi32>
    %min3A_594 = arith.minsi %shift_right_arithmetic3A_591, %broadcast_in_dim3A_593 : vector<16xi32>
    %gather3A_595 = tpu.vector_load_idx %arg5[%min3A_594] : memref<8192xi32, #tpu.memory_space<vmem>>[vector<16xi32>], vector<16xi32>,
    %le3A_596 = arith.cmpi sle, %gather3A_595, %add3A_510 : vector<16xi32>
    %and3A_597 = arith.andi %le3A_596, %lt3A_587 : vector<16xi1>
    %gt3A_598 = arith.cmpi sgt, %gather3A_595, %add3A_510 : vector<16xi32>
    %and3A_599 = arith.andi %gt3A_598, %lt3A_587 : vector<16xi1>
    %add3A_600 = arith.constant 1 : i32
    %add3A_601 = vector.broadcast %add3A_600 : i32 to vector<16xi32>
    %add3A_602 = arith.addi %shift_right_arithmetic3A_591, %add3A_601 : vector<16xi32>
    %select_n3A_603 = arith.select %and3A_597, %add3A_602, %select_n3A_585 : vector<16xi1>, vector<16xi32>
    %select_n3A_604 = arith.select %and3A_599, %shift_right_arithmetic3A_591, %select_n3A_586 : vector<16xi1>, vector<16xi32>
    %lt3A_605 = arith.cmpi slt, %select_n3A_603, %select_n3A_604 : vector<16xi32>
    %add3A_606 = arith.addi %select_n3A_603, %select_n3A_604 : vector<16xi32>
    %shift_right_arithmetic3A_607 = arith.constant 1 : i32
    %shift_right_arithmetic3A_608 = vector.broadcast %shift_right_arithmetic3A_607 : i32 to vector<16xi32>
    %shift_right_arithmetic3A_609 = arith.shrsi %add3A_606, %shift_right_arithmetic3A_608 : vector<16xi32>
    %broadcast_in_dim3A_610 = arith.constant 8191 : i32
    %broadcast_in_dim3A_611 = vector.broadcast %broadcast_in_dim3A_610 : i32 to vector<16xi32>
    %min3A_612 = arith.minsi %shift_right_arithmetic3A_609, %broadcast_in_dim3A_611 : vector<16xi32>
    %gather3A_613 = tpu.vector_load_idx %arg5[%min3A_612] : memref<8192xi32, #tpu.memory_space<vmem>>[vector<16xi32>], vector<16xi32>,
    %le3A_614 = arith.cmpi sle, %gather3A_613, %add3A_510 : vector<16xi32>
    %and3A_615 = arith.andi %le3A_614, %lt3A_605 : vector<16xi1>
    %gt3A_616 = arith.cmpi sgt, %gather3A_613, %add3A_510 : vector<16xi32>
    %and3A_617 = arith.andi %gt3A_616, %lt3A_605 : vector<16xi1>
    %add3A_618 = arith.constant 1 : i32
    %add3A_619 = vector.broadcast %add3A_618 : i32 to vector<16xi32>
    %add3A_620 = arith.addi %shift_right_arithmetic3A_609, %add3A_619 : vector<16xi32>
    %select_n3A_621 = arith.select %and3A_615, %add3A_620, %select_n3A_603 : vector<16xi1>, vector<16xi32>
    %select_n3A_622 = arith.select %and3A_617, %shift_right_arithmetic3A_609, %select_n3A_604 : vector<16xi1>, vector<16xi32>
    %lt3A_623 = arith.cmpi slt, %select_n3A_621, %select_n3A_622 : vector<16xi32>
    %add3A_624 = arith.addi %select_n3A_621, %select_n3A_622 : vector<16xi32>
    %shift_right_arithmetic3A_625 = arith.constant 1 : i32
    %shift_right_arithmetic3A_626 = vector.broadcast %shift_right_arithmetic3A_625 : i32 to vector<16xi32>
    %shift_right_arithmetic3A_627 = arith.shrsi %add3A_624, %shift_right_arithmetic3A_626 : vector<16xi32>
    %broadcast_in_dim3A_628 = arith.constant 8191 : i32
    %broadcast_in_dim3A_629 = vector.broadcast %broadcast_in_dim3A_628 : i32 to vector<16xi32>
    %min3A_630 = arith.minsi %shift_right_arithmetic3A_627, %broadcast_in_dim3A_629 : vector<16xi32>
    %gather3A_631 = tpu.vector_load_idx %arg5[%min3A_630] : memref<8192xi32, #tpu.memory_space<vmem>>[vector<16xi32>], vector<16xi32>,
    %le3A_632 = arith.cmpi sle, %gather3A_631, %add3A_510 : vector<16xi32>
    %and3A_633 = arith.andi %le3A_632, %lt3A_623 : vector<16xi1>
    %gt3A_634 = arith.cmpi sgt, %gather3A_631, %add3A_510 : vector<16xi32>
    %and3A_635 = arith.andi %gt3A_634, %lt3A_623 : vector<16xi1>
    %add3A_636 = arith.constant 1 : i32
    %add3A_637 = vector.broadcast %add3A_636 : i32 to vector<16xi32>
    %add3A_638 = arith.addi %shift_right_arithmetic3A_627, %add3A_637 : vector<16xi32>
    %select_n3A_639 = arith.select %and3A_633, %add3A_638, %select_n3A_621 : vector<16xi1>, vector<16xi32>
    %select_n3A_640 = arith.select %and3A_635, %shift_right_arithmetic3A_627, %select_n3A_622 : vector<16xi1>, vector<16xi32>
    %lt3A_641 = arith.cmpi slt, %select_n3A_639, %select_n3A_640 : vector<16xi32>
    %add3A_642 = arith.addi %select_n3A_639, %select_n3A_640 : vector<16xi32>
    %shift_right_arithmetic3A_643 = arith.constant 1 : i32
    %shift_right_arithmetic3A_644 = vector.broadcast %shift_right_arithmetic3A_643 : i32 to vector<16xi32>
    %shift_right_arithmetic3A_645 = arith.shrsi %add3A_642, %shift_right_arithmetic3A_644 : vector<16xi32>
    %broadcast_in_dim3A_646 = arith.constant 8191 : i32
    %broadcast_in_dim3A_647 = vector.broadcast %broadcast_in_dim3A_646 : i32 to vector<16xi32>
    %min3A_648 = arith.minsi %shift_right_arithmetic3A_645, %broadcast_in_dim3A_647 : vector<16xi32>
    %gather3A_649 = tpu.vector_load_idx %arg5[%min3A_648] : memref<8192xi32, #tpu.memory_space<vmem>>[vector<16xi32>], vector<16xi32>,
    %le3A_650 = arith.cmpi sle, %gather3A_649, %add3A_510 : vector<16xi32>
    %and3A_651 = arith.andi %le3A_650, %lt3A_641 : vector<16xi1>
    %gt3A_652 = arith.cmpi sgt, %gather3A_649, %add3A_510 : vector<16xi32>
    %and3A_653 = arith.andi %gt3A_652, %lt3A_641 : vector<16xi1>
    %add3A_654 = arith.constant 1 : i32
    %add3A_655 = vector.broadcast %add3A_654 : i32 to vector<16xi32>
    %add3A_656 = arith.addi %shift_right_arithmetic3A_645, %add3A_655 : vector<16xi32>
    %select_n3A_657 = arith.select %and3A_651, %add3A_656, %select_n3A_639 : vector<16xi1>, vector<16xi32>
    %select_n3A_658 = arith.select %and3A_653, %shift_right_arithmetic3A_645, %select_n3A_640 : vector<16xi1>, vector<16xi32>
    %lt3A_659 = arith.cmpi slt, %select_n3A_657, %select_n3A_658 : vector<16xi32>
    %add3A_660 = arith.addi %select_n3A_657, %select_n3A_658 : vector<16xi32>
    %shift_right_arithmetic3A_661 = arith.constant 1 : i32
    %shift_right_arithmetic3A_662 = vector.broadcast %shift_right_arithmetic3A_661 : i32 to vector<16xi32>
    %shift_right_arithmetic3A_663 = arith.shrsi %add3A_660, %shift_right_arithmetic3A_662 : vector<16xi32>
    %broadcast_in_dim3A_664 = arith.constant 8191 : i32
    %broadcast_in_dim3A_665 = vector.broadcast %broadcast_in_dim3A_664 : i32 to vector<16xi32>
    %min3A_666 = arith.minsi %shift_right_arithmetic3A_663, %broadcast_in_dim3A_665 : vector<16xi32>
    %gather3A_667 = tpu.vector_load_idx %arg5[%min3A_666] : memref<8192xi32, #tpu.memory_space<vmem>>[vector<16xi32>], vector<16xi32>,
    %le3A_668 = arith.cmpi sle, %gather3A_667, %add3A_510 : vector<16xi32>
    %and3A_669 = arith.andi %le3A_668, %lt3A_659 : vector<16xi1>
    %gt3A_670 = arith.cmpi sgt, %gather3A_667, %add3A_510 : vector<16xi32>
    %and3A_671 = arith.andi %gt3A_670, %lt3A_659 : vector<16xi1>
    %add3A_672 = arith.constant 1 : i32
    %add3A_673 = vector.broadcast %add3A_672 : i32 to vector<16xi32>
    %add3A_674 = arith.addi %shift_right_arithmetic3A_663, %add3A_673 : vector<16xi32>
    %select_n3A_675 = arith.select %and3A_669, %add3A_674, %select_n3A_657 : vector<16xi1>, vector<16xi32>
    %select_n3A_676 = arith.select %and3A_671, %shift_right_arithmetic3A_663, %select_n3A_658 : vector<16xi1>, vector<16xi32>
    %lt3A_677 = arith.cmpi slt, %select_n3A_675, %select_n3A_676 : vector<16xi32>
    %add3A_678 = arith.addi %select_n3A_675, %select_n3A_676 : vector<16xi32>
    %shift_right_arithmetic3A_679 = arith.constant 1 : i32
    %shift_right_arithmetic3A_680 = vector.broadcast %shift_right_arithmetic3A_679 : i32 to vector<16xi32>
    %shift_right_arithmetic3A_681 = arith.shrsi %add3A_678, %shift_right_arithmetic3A_680 : vector<16xi32>
    %broadcast_in_dim3A_682 = arith.constant 8191 : i32
    %broadcast_in_dim3A_683 = vector.broadcast %broadcast_in_dim3A_682 : i32 to vector<16xi32>
    %min3A_684 = arith.minsi %shift_right_arithmetic3A_681, %broadcast_in_dim3A_683 : vector<16xi32>
    %gather3A_685 = tpu.vector_load_idx %arg5[%min3A_684] : memref<8192xi32, #tpu.memory_space<vmem>>[vector<16xi32>], vector<16xi32>,
    %le3A_686 = arith.cmpi sle, %gather3A_685, %add3A_510 : vector<16xi32>
    %and3A_687 = arith.andi %le3A_686, %lt3A_677 : vector<16xi1>
    %gt3A_688 = arith.cmpi sgt, %gather3A_685, %add3A_510 : vector<16xi32>
    %and3A_689 = arith.andi %gt3A_688, %lt3A_677 : vector<16xi1>
    %add3A_690 = arith.constant 1 : i32
    %add3A_691 = vector.broadcast %add3A_690 : i32 to vector<16xi32>
    %add3A_692 = arith.addi %shift_right_arithmetic3A_681, %add3A_691 : vector<16xi32>
    %select_n3A_693 = arith.select %and3A_687, %add3A_692, %select_n3A_675 : vector<16xi1>, vector<16xi32>
    %select_n3A_694 = arith.select %and3A_689, %shift_right_arithmetic3A_681, %select_n3A_676 : vector<16xi1>, vector<16xi32>
    %lt3A_695 = arith.cmpi slt, %select_n3A_693, %select_n3A_694 : vector<16xi32>
    %add3A_696 = arith.addi %select_n3A_693, %select_n3A_694 : vector<16xi32>
    %shift_right_arithmetic3A_697 = arith.constant 1 : i32
    %shift_right_arithmetic3A_698 = vector.broadcast %shift_right_arithmetic3A_697 : i32 to vector<16xi32>
    %shift_right_arithmetic3A_699 = arith.shrsi %add3A_696, %shift_right_arithmetic3A_698 : vector<16xi32>
    %broadcast_in_dim3A_700 = arith.constant 8191 : i32
    %broadcast_in_dim3A_701 = vector.broadcast %broadcast_in_dim3A_700 : i32 to vector<16xi32>
    %min3A_702 = arith.minsi %shift_right_arithmetic3A_699, %broadcast_in_dim3A_701 : vector<16xi32>
    %gather3A_703 = tpu.vector_load_idx %arg5[%min3A_702] : memref<8192xi32, #tpu.memory_space<vmem>>[vector<16xi32>], vector<16xi32>,
    %le3A_704 = arith.cmpi sle, %gather3A_703, %add3A_510 : vector<16xi32>
    %and3A_705 = arith.andi %le3A_704, %lt3A_695 : vector<16xi1>
    %gt3A_706 = arith.cmpi sgt, %gather3A_703, %add3A_510 : vector<16xi32>
    %and3A_707 = arith.andi %gt3A_706, %lt3A_695 : vector<16xi1>
    %add3A_708 = arith.constant 1 : i32
    %add3A_709 = vector.broadcast %add3A_708 : i32 to vector<16xi32>
    %add3A_710 = arith.addi %shift_right_arithmetic3A_699, %add3A_709 : vector<16xi32>
    %select_n3A_711 = arith.select %and3A_705, %add3A_710, %select_n3A_693 : vector<16xi1>, vector<16xi32>
    %select_n3A_712 = arith.select %and3A_707, %shift_right_arithmetic3A_699, %select_n3A_694 : vector<16xi1>, vector<16xi32>
    %lt3A_713 = arith.cmpi slt, %select_n3A_711, %select_n3A_712 : vector<16xi32>
    %add3A_714 = arith.addi %select_n3A_711, %select_n3A_712 : vector<16xi32>
    %shift_right_arithmetic3A_715 = arith.constant 1 : i32
    %shift_right_arithmetic3A_716 = vector.broadcast %shift_right_arithmetic3A_715 : i32 to vector<16xi32>
    %shift_right_arithmetic3A_717 = arith.shrsi %add3A_714, %shift_right_arithmetic3A_716 : vector<16xi32>
    %broadcast_in_dim3A_718 = arith.constant 8191 : i32
    %broadcast_in_dim3A_719 = vector.broadcast %broadcast_in_dim3A_718 : i32 to vector<16xi32>
    %min3A_720 = arith.minsi %shift_right_arithmetic3A_717, %broadcast_in_dim3A_719 : vector<16xi32>
    %gather3A_721 = tpu.vector_load_idx %arg5[%min3A_720] : memref<8192xi32, #tpu.memory_space<vmem>>[vector<16xi32>], vector<16xi32>,
    %le3A_722 = arith.cmpi sle, %gather3A_721, %add3A_510 : vector<16xi32>
    %and3A_723 = arith.andi %le3A_722, %lt3A_713 : vector<16xi1>
    %gt3A_724 = arith.cmpi sgt, %gather3A_721, %add3A_510 : vector<16xi32>
    %and3A_725 = arith.andi %gt3A_724, %lt3A_713 : vector<16xi1>
    %add3A_726 = arith.constant 1 : i32
    %add3A_727 = vector.broadcast %add3A_726 : i32 to vector<16xi32>
    %add3A_728 = arith.addi %shift_right_arithmetic3A_717, %add3A_727 : vector<16xi32>
    %select_n3A_729 = arith.select %and3A_723, %add3A_728, %select_n3A_711 : vector<16xi1>, vector<16xi32>
    %select_n3A_730 = arith.select %and3A_725, %shift_right_arithmetic3A_717, %select_n3A_712 : vector<16xi1>, vector<16xi32>
    %lt3A_731 = arith.cmpi slt, %select_n3A_729, %select_n3A_730 : vector<16xi32>
    %add3A_732 = arith.addi %select_n3A_729, %select_n3A_730 : vector<16xi32>
    %shift_right_arithmetic3A_733 = arith.constant 1 : i32
    %shift_right_arithmetic3A_734 = vector.broadcast %shift_right_arithmetic3A_733 : i32 to vector<16xi32>
    %shift_right_arithmetic3A_735 = arith.shrsi %add3A_732, %shift_right_arithmetic3A_734 : vector<16xi32>
    %broadcast_in_dim3A_736 = arith.constant 8191 : i32
    %broadcast_in_dim3A_737 = vector.broadcast %broadcast_in_dim3A_736 : i32 to vector<16xi32>
    %min3A_738 = arith.minsi %shift_right_arithmetic3A_735, %broadcast_in_dim3A_737 : vector<16xi32>
    %gather3A_739 = tpu.vector_load_idx %arg5[%min3A_738] : memref<8192xi32, #tpu.memory_space<vmem>>[vector<16xi32>], vector<16xi32>,
    %le3A_740 = arith.cmpi sle, %gather3A_739, %add3A_510 : vector<16xi32>
    %and3A_741 = arith.andi %le3A_740, %lt3A_731 : vector<16xi1>
    %gt3A_742 = arith.cmpi sgt, %gather3A_739, %add3A_510 : vector<16xi32>
    %and3A_743 = arith.andi %gt3A_742, %lt3A_731 : vector<16xi1>
    %add3A_744 = arith.constant 1 : i32
    %add3A_745 = vector.broadcast %add3A_744 : i32 to vector<16xi32>
    %add3A_746 = arith.addi %shift_right_arithmetic3A_735, %add3A_745 : vector<16xi32>
    %select_n3A_747 = arith.select %and3A_741, %add3A_746, %select_n3A_729 : vector<16xi1>, vector<16xi32>
    %select_n3A_748 = arith.select %and3A_743, %shift_right_arithmetic3A_735, %select_n3A_730 : vector<16xi1>, vector<16xi32>
    %sub3A_749 = arith.constant 1 : i32
    %sub3A_750 = vector.broadcast %sub3A_749 : i32 to vector<16xi32>
    %sub3A_751 = arith.subi %select_n3A_747, %sub3A_750 : vector<16xi32>
    %max3A_752 = arith.constant 0 : i32
    %max3A_753 = vector.broadcast %max3A_752 : i32 to vector<16xi32>
    %max3A_754 = arith.maxsi %sub3A_751, %max3A_753 : vector<16xi32>
    %gather3A_755 = tpu.vector_load_idx %arg5[%max3A_754] : memref<8192xi32, #tpu.memory_space<vmem>>[vector<16xi32>], vector<16xi32>,
    %ge3A_756 = arith.constant 0 : i32
    %ge3A_757 = vector.broadcast %ge3A_756 : i32 to vector<16xi32>
    %ge3A_758 = arith.cmpi sge, %sub3A_751, %ge3A_757 : vector<16xi32>
    %eq3A_759 = arith.cmpi eq, %gather3A_755, %add3A_510 : vector<16xi32>
    %and3A_760 = arith.andi %ge3A_758, %eq3A_759 : vector<16xi1>
    %broadcast_in_dim3A_761 = arith.constant 8192 : i32
    %broadcast_in_dim3A_762 = vector.broadcast %broadcast_in_dim3A_761 : i32 to vector<16xi32>
    %select_n3A_763 = arith.select %and3A_760, %sub3A_751, %broadcast_in_dim3A_762 : vector<16xi1>, vector<16xi32>
    %swap3A_764 = arith.constant 32 : index
    %swap3A_765 = tpu.vector_load %arg6[%swap3A_764] {strides = array<i32>} : memref<64xi32, #tpu.memory_space<vmem>>, vector<16xi32>,
    tpu.vector_store %arg6[%swap3A_764], %select_n3A_763 {strides = array<i32>} : memref<64xi32, #tpu.memory_space<vmem>>, vector<16xi32>,
    %add3A_766 = arith.constant 48 : i32
    %add3A_767 = arith.addi %mul3A_2, %add3A_766 : i32
    %add3A_768 = vector.broadcast %add3A_767 : i32 to vector<16xi32>
    %add3A_769 = arith.addi %add3A_768, %iota3A : vector<16xi32>
    %broadcast_in_dim3A_770 = arith.constant 0 : i32
    %broadcast_in_dim3A_771 = vector.broadcast %broadcast_in_dim3A_770 : i32 to vector<16xi32>
    %broadcast_in_dim3A_772 = arith.constant 8192 : i32
    %broadcast_in_dim3A_773 = vector.broadcast %broadcast_in_dim3A_772 : i32 to vector<16xi32>
    %lt3A_774 = arith.cmpi slt, %broadcast_in_dim3A_771, %broadcast_in_dim3A_773 : vector<16xi32>
    %add3A_775 = arith.addi %broadcast_in_dim3A_771, %broadcast_in_dim3A_773 : vector<16xi32>
    %shift_right_arithmetic3A_776 = arith.constant 1 : i32
    %shift_right_arithmetic3A_777 = vector.broadcast %shift_right_arithmetic3A_776 : i32 to vector<16xi32>
    %shift_right_arithmetic3A_778 = arith.shrsi %add3A_775, %shift_right_arithmetic3A_777 : vector<16xi32>
    %broadcast_in_dim3A_779 = arith.constant 8191 : i32
    %broadcast_in_dim3A_780 = vector.broadcast %broadcast_in_dim3A_779 : i32 to vector<16xi32>
    %min3A_781 = arith.minsi %shift_right_arithmetic3A_778, %broadcast_in_dim3A_780 : vector<16xi32>
    %gather3A_782 = tpu.vector_load_idx %arg5[%min3A_781] : memref<8192xi32, #tpu.memory_space<vmem>>[vector<16xi32>], vector<16xi32>,
    %le3A_783 = arith.cmpi sle, %gather3A_782, %add3A_769 : vector<16xi32>
    %and3A_784 = arith.andi %le3A_783, %lt3A_774 : vector<16xi1>
    %gt3A_785 = arith.cmpi sgt, %gather3A_782, %add3A_769 : vector<16xi32>
    %and3A_786 = arith.andi %gt3A_785, %lt3A_774 : vector<16xi1>
    %add3A_787 = arith.constant 1 : i32
    %add3A_788 = vector.broadcast %add3A_787 : i32 to vector<16xi32>
    %add3A_789 = arith.addi %shift_right_arithmetic3A_778, %add3A_788 : vector<16xi32>
    %select_n3A_790 = arith.select %and3A_784, %add3A_789, %broadcast_in_dim3A_771 : vector<16xi1>, vector<16xi32>
    %select_n3A_791 = arith.select %and3A_786, %shift_right_arithmetic3A_778, %broadcast_in_dim3A_773 : vector<16xi1>, vector<16xi32>
    %lt3A_792 = arith.cmpi slt, %select_n3A_790, %select_n3A_791 : vector<16xi32>
    %add3A_793 = arith.addi %select_n3A_790, %select_n3A_791 : vector<16xi32>
    %shift_right_arithmetic3A_794 = arith.constant 1 : i32
    %shift_right_arithmetic3A_795 = vector.broadcast %shift_right_arithmetic3A_794 : i32 to vector<16xi32>
    %shift_right_arithmetic3A_796 = arith.shrsi %add3A_793, %shift_right_arithmetic3A_795 : vector<16xi32>
    %broadcast_in_dim3A_797 = arith.constant 8191 : i32
    %broadcast_in_dim3A_798 = vector.broadcast %broadcast_in_dim3A_797 : i32 to vector<16xi32>
    %min3A_799 = arith.minsi %shift_right_arithmetic3A_796, %broadcast_in_dim3A_798 : vector<16xi32>
    %gather3A_800 = tpu.vector_load_idx %arg5[%min3A_799] : memref<8192xi32, #tpu.memory_space<vmem>>[vector<16xi32>], vector<16xi32>,
    %le3A_801 = arith.cmpi sle, %gather3A_800, %add3A_769 : vector<16xi32>
    %and3A_802 = arith.andi %le3A_801, %lt3A_792 : vector<16xi1>
    %gt3A_803 = arith.cmpi sgt, %gather3A_800, %add3A_769 : vector<16xi32>
    %and3A_804 = arith.andi %gt3A_803, %lt3A_792 : vector<16xi1>
    %add3A_805 = arith.constant 1 : i32
    %add3A_806 = vector.broadcast %add3A_805 : i32 to vector<16xi32>
    %add3A_807 = arith.addi %shift_right_arithmetic3A_796, %add3A_806 : vector<16xi32>
    %select_n3A_808 = arith.select %and3A_802, %add3A_807, %select_n3A_790 : vector<16xi1>, vector<16xi32>
    %select_n3A_809 = arith.select %and3A_804, %shift_right_arithmetic3A_796, %select_n3A_791 : vector<16xi1>, vector<16xi32>
    %lt3A_810 = arith.cmpi slt, %select_n3A_808, %select_n3A_809 : vector<16xi32>
    %add3A_811 = arith.addi %select_n3A_808, %select_n3A_809 : vector<16xi32>
    %shift_right_arithmetic3A_812 = arith.constant 1 : i32
    %shift_right_arithmetic3A_813 = vector.broadcast %shift_right_arithmetic3A_812 : i32 to vector<16xi32>
    %shift_right_arithmetic3A_814 = arith.shrsi %add3A_811, %shift_right_arithmetic3A_813 : vector<16xi32>
    %broadcast_in_dim3A_815 = arith.constant 8191 : i32
    %broadcast_in_dim3A_816 = vector.broadcast %broadcast_in_dim3A_815 : i32 to vector<16xi32>
    %min3A_817 = arith.minsi %shift_right_arithmetic3A_814, %broadcast_in_dim3A_816 : vector<16xi32>
    %gather3A_818 = tpu.vector_load_idx %arg5[%min3A_817] : memref<8192xi32, #tpu.memory_space<vmem>>[vector<16xi32>], vector<16xi32>,
    %le3A_819 = arith.cmpi sle, %gather3A_818, %add3A_769 : vector<16xi32>
    %and3A_820 = arith.andi %le3A_819, %lt3A_810 : vector<16xi1>
    %gt3A_821 = arith.cmpi sgt, %gather3A_818, %add3A_769 : vector<16xi32>
    %and3A_822 = arith.andi %gt3A_821, %lt3A_810 : vector<16xi1>
    %add3A_823 = arith.constant 1 : i32
    %add3A_824 = vector.broadcast %add3A_823 : i32 to vector<16xi32>
    %add3A_825 = arith.addi %shift_right_arithmetic3A_814, %add3A_824 : vector<16xi32>
    %select_n3A_826 = arith.select %and3A_820, %add3A_825, %select_n3A_808 : vector<16xi1>, vector<16xi32>
    %select_n3A_827 = arith.select %and3A_822, %shift_right_arithmetic3A_814, %select_n3A_809 : vector<16xi1>, vector<16xi32>
    %lt3A_828 = arith.cmpi slt, %select_n3A_826, %select_n3A_827 : vector<16xi32>
    %add3A_829 = arith.addi %select_n3A_826, %select_n3A_827 : vector<16xi32>
    %shift_right_arithmetic3A_830 = arith.constant 1 : i32
    %shift_right_arithmetic3A_831 = vector.broadcast %shift_right_arithmetic3A_830 : i32 to vector<16xi32>
    %shift_right_arithmetic3A_832 = arith.shrsi %add3A_829, %shift_right_arithmetic3A_831 : vector<16xi32>
    %broadcast_in_dim3A_833 = arith.constant 8191 : i32
    %broadcast_in_dim3A_834 = vector.broadcast %broadcast_in_dim3A_833 : i32 to vector<16xi32>
    %min3A_835 = arith.minsi %shift_right_arithmetic3A_832, %broadcast_in_dim3A_834 : vector<16xi32>
    %gather3A_836 = tpu.vector_load_idx %arg5[%min3A_835] : memref<8192xi32, #tpu.memory_space<vmem>>[vector<16xi32>], vector<16xi32>,
    %le3A_837 = arith.cmpi sle, %gather3A_836, %add3A_769 : vector<16xi32>
    %and3A_838 = arith.andi %le3A_837, %lt3A_828 : vector<16xi1>
    %gt3A_839 = arith.cmpi sgt, %gather3A_836, %add3A_769 : vector<16xi32>
    %and3A_840 = arith.andi %gt3A_839, %lt3A_828 : vector<16xi1>
    %add3A_841 = arith.constant 1 : i32
    %add3A_842 = vector.broadcast %add3A_841 : i32 to vector<16xi32>
    %add3A_843 = arith.addi %shift_right_arithmetic3A_832, %add3A_842 : vector<16xi32>
    %select_n3A_844 = arith.select %and3A_838, %add3A_843, %select_n3A_826 : vector<16xi1>, vector<16xi32>
    %select_n3A_845 = arith.select %and3A_840, %shift_right_arithmetic3A_832, %select_n3A_827 : vector<16xi1>, vector<16xi32>
    %lt3A_846 = arith.cmpi slt, %select_n3A_844, %select_n3A_845 : vector<16xi32>
    %add3A_847 = arith.addi %select_n3A_844, %select_n3A_845 : vector<16xi32>
    %shift_right_arithmetic3A_848 = arith.constant 1 : i32
    %shift_right_arithmetic3A_849 = vector.broadcast %shift_right_arithmetic3A_848 : i32 to vector<16xi32>
    %shift_right_arithmetic3A_850 = arith.shrsi %add3A_847, %shift_right_arithmetic3A_849 : vector<16xi32>
    %broadcast_in_dim3A_851 = arith.constant 8191 : i32
    %broadcast_in_dim3A_852 = vector.broadcast %broadcast_in_dim3A_851 : i32 to vector<16xi32>
    %min3A_853 = arith.minsi %shift_right_arithmetic3A_850, %broadcast_in_dim3A_852 : vector<16xi32>
    %gather3A_854 = tpu.vector_load_idx %arg5[%min3A_853] : memref<8192xi32, #tpu.memory_space<vmem>>[vector<16xi32>], vector<16xi32>,
    %le3A_855 = arith.cmpi sle, %gather3A_854, %add3A_769 : vector<16xi32>
    %and3A_856 = arith.andi %le3A_855, %lt3A_846 : vector<16xi1>
    %gt3A_857 = arith.cmpi sgt, %gather3A_854, %add3A_769 : vector<16xi32>
    %and3A_858 = arith.andi %gt3A_857, %lt3A_846 : vector<16xi1>
    %add3A_859 = arith.constant 1 : i32
    %add3A_860 = vector.broadcast %add3A_859 : i32 to vector<16xi32>
    %add3A_861 = arith.addi %shift_right_arithmetic3A_850, %add3A_860 : vector<16xi32>
    %select_n3A_862 = arith.select %and3A_856, %add3A_861, %select_n3A_844 : vector<16xi1>, vector<16xi32>
    %select_n3A_863 = arith.select %and3A_858, %shift_right_arithmetic3A_850, %select_n3A_845 : vector<16xi1>, vector<16xi32>
    %lt3A_864 = arith.cmpi slt, %select_n3A_862, %select_n3A_863 : vector<16xi32>
    %add3A_865 = arith.addi %select_n3A_862, %select_n3A_863 : vector<16xi32>
    %shift_right_arithmetic3A_866 = arith.constant 1 : i32
    %shift_right_arithmetic3A_867 = vector.broadcast %shift_right_arithmetic3A_866 : i32 to vector<16xi32>
    %shift_right_arithmetic3A_868 = arith.shrsi %add3A_865, %shift_right_arithmetic3A_867 : vector<16xi32>
    %broadcast_in_dim3A_869 = arith.constant 8191 : i32
    %broadcast_in_dim3A_870 = vector.broadcast %broadcast_in_dim3A_869 : i32 to vector<16xi32>
    %min3A_871 = arith.minsi %shift_right_arithmetic3A_868, %broadcast_in_dim3A_870 : vector<16xi32>
    %gather3A_872 = tpu.vector_load_idx %arg5[%min3A_871] : memref<8192xi32, #tpu.memory_space<vmem>>[vector<16xi32>], vector<16xi32>,
    %le3A_873 = arith.cmpi sle, %gather3A_872, %add3A_769 : vector<16xi32>
    %and3A_874 = arith.andi %le3A_873, %lt3A_864 : vector<16xi1>
    %gt3A_875 = arith.cmpi sgt, %gather3A_872, %add3A_769 : vector<16xi32>
    %and3A_876 = arith.andi %gt3A_875, %lt3A_864 : vector<16xi1>
    %add3A_877 = arith.constant 1 : i32
    %add3A_878 = vector.broadcast %add3A_877 : i32 to vector<16xi32>
    %add3A_879 = arith.addi %shift_right_arithmetic3A_868, %add3A_878 : vector<16xi32>
    %select_n3A_880 = arith.select %and3A_874, %add3A_879, %select_n3A_862 : vector<16xi1>, vector<16xi32>
    %select_n3A_881 = arith.select %and3A_876, %shift_right_arithmetic3A_868, %select_n3A_863 : vector<16xi1>, vector<16xi32>
    %lt3A_882 = arith.cmpi slt, %select_n3A_880, %select_n3A_881 : vector<16xi32>
    %add3A_883 = arith.addi %select_n3A_880, %select_n3A_881 : vector<16xi32>
    %shift_right_arithmetic3A_884 = arith.constant 1 : i32
    %shift_right_arithmetic3A_885 = vector.broadcast %shift_right_arithmetic3A_884 : i32 to vector<16xi32>
    %shift_right_arithmetic3A_886 = arith.shrsi %add3A_883, %shift_right_arithmetic3A_885 : vector<16xi32>
    %broadcast_in_dim3A_887 = arith.constant 8191 : i32
    %broadcast_in_dim3A_888 = vector.broadcast %broadcast_in_dim3A_887 : i32 to vector<16xi32>
    %min3A_889 = arith.minsi %shift_right_arithmetic3A_886, %broadcast_in_dim3A_888 : vector<16xi32>
    %gather3A_890 = tpu.vector_load_idx %arg5[%min3A_889] : memref<8192xi32, #tpu.memory_space<vmem>>[vector<16xi32>], vector<16xi32>,
    %le3A_891 = arith.cmpi sle, %gather3A_890, %add3A_769 : vector<16xi32>
    %and3A_892 = arith.andi %le3A_891, %lt3A_882 : vector<16xi1>
    %gt3A_893 = arith.cmpi sgt, %gather3A_890, %add3A_769 : vector<16xi32>
    %and3A_894 = arith.andi %gt3A_893, %lt3A_882 : vector<16xi1>
    %add3A_895 = arith.constant 1 : i32
    %add3A_896 = vector.broadcast %add3A_895 : i32 to vector<16xi32>
    %add3A_897 = arith.addi %shift_right_arithmetic3A_886, %add3A_896 : vector<16xi32>
    %select_n3A_898 = arith.select %and3A_892, %add3A_897, %select_n3A_880 : vector<16xi1>, vector<16xi32>
    %select_n3A_899 = arith.select %and3A_894, %shift_right_arithmetic3A_886, %select_n3A_881 : vector<16xi1>, vector<16xi32>
    %lt3A_900 = arith.cmpi slt, %select_n3A_898, %select_n3A_899 : vector<16xi32>
    %add3A_901 = arith.addi %select_n3A_898, %select_n3A_899 : vector<16xi32>
    %shift_right_arithmetic3A_902 = arith.constant 1 : i32
    %shift_right_arithmetic3A_903 = vector.broadcast %shift_right_arithmetic3A_902 : i32 to vector<16xi32>
    %shift_right_arithmetic3A_904 = arith.shrsi %add3A_901, %shift_right_arithmetic3A_903 : vector<16xi32>
    %broadcast_in_dim3A_905 = arith.constant 8191 : i32
    %broadcast_in_dim3A_906 = vector.broadcast %broadcast_in_dim3A_905 : i32 to vector<16xi32>
    %min3A_907 = arith.minsi %shift_right_arithmetic3A_904, %broadcast_in_dim3A_906 : vector<16xi32>
    %gather3A_908 = tpu.vector_load_idx %arg5[%min3A_907] : memref<8192xi32, #tpu.memory_space<vmem>>[vector<16xi32>], vector<16xi32>,
    %le3A_909 = arith.cmpi sle, %gather3A_908, %add3A_769 : vector<16xi32>
    %and3A_910 = arith.andi %le3A_909, %lt3A_900 : vector<16xi1>
    %gt3A_911 = arith.cmpi sgt, %gather3A_908, %add3A_769 : vector<16xi32>
    %and3A_912 = arith.andi %gt3A_911, %lt3A_900 : vector<16xi1>
    %add3A_913 = arith.constant 1 : i32
    %add3A_914 = vector.broadcast %add3A_913 : i32 to vector<16xi32>
    %add3A_915 = arith.addi %shift_right_arithmetic3A_904, %add3A_914 : vector<16xi32>
    %select_n3A_916 = arith.select %and3A_910, %add3A_915, %select_n3A_898 : vector<16xi1>, vector<16xi32>
    %select_n3A_917 = arith.select %and3A_912, %shift_right_arithmetic3A_904, %select_n3A_899 : vector<16xi1>, vector<16xi32>
    %lt3A_918 = arith.cmpi slt, %select_n3A_916, %select_n3A_917 : vector<16xi32>
    %add3A_919 = arith.addi %select_n3A_916, %select_n3A_917 : vector<16xi32>
    %shift_right_arithmetic3A_920 = arith.constant 1 : i32
    %shift_right_arithmetic3A_921 = vector.broadcast %shift_right_arithmetic3A_920 : i32 to vector<16xi32>
    %shift_right_arithmetic3A_922 = arith.shrsi %add3A_919, %shift_right_arithmetic3A_921 : vector<16xi32>
    %broadcast_in_dim3A_923 = arith.constant 8191 : i32
    %broadcast_in_dim3A_924 = vector.broadcast %broadcast_in_dim3A_923 : i32 to vector<16xi32>
    %min3A_925 = arith.minsi %shift_right_arithmetic3A_922, %broadcast_in_dim3A_924 : vector<16xi32>
    %gather3A_926 = tpu.vector_load_idx %arg5[%min3A_925] : memref<8192xi32, #tpu.memory_space<vmem>>[vector<16xi32>], vector<16xi32>,
    %le3A_927 = arith.cmpi sle, %gather3A_926, %add3A_769 : vector<16xi32>
    %and3A_928 = arith.andi %le3A_927, %lt3A_918 : vector<16xi1>
    %gt3A_929 = arith.cmpi sgt, %gather3A_926, %add3A_769 : vector<16xi32>
    %and3A_930 = arith.andi %gt3A_929, %lt3A_918 : vector<16xi1>
    %add3A_931 = arith.constant 1 : i32
    %add3A_932 = vector.broadcast %add3A_931 : i32 to vector<16xi32>
    %add3A_933 = arith.addi %shift_right_arithmetic3A_922, %add3A_932 : vector<16xi32>
    %select_n3A_934 = arith.select %and3A_928, %add3A_933, %select_n3A_916 : vector<16xi1>, vector<16xi32>
    %select_n3A_935 = arith.select %and3A_930, %shift_right_arithmetic3A_922, %select_n3A_917 : vector<16xi1>, vector<16xi32>
    %lt3A_936 = arith.cmpi slt, %select_n3A_934, %select_n3A_935 : vector<16xi32>
    %add3A_937 = arith.addi %select_n3A_934, %select_n3A_935 : vector<16xi32>
    %shift_right_arithmetic3A_938 = arith.constant 1 : i32
    %shift_right_arithmetic3A_939 = vector.broadcast %shift_right_arithmetic3A_938 : i32 to vector<16xi32>
    %shift_right_arithmetic3A_940 = arith.shrsi %add3A_937, %shift_right_arithmetic3A_939 : vector<16xi32>
    %broadcast_in_dim3A_941 = arith.constant 8191 : i32
    %broadcast_in_dim3A_942 = vector.broadcast %broadcast_in_dim3A_941 : i32 to vector<16xi32>
    %min3A_943 = arith.minsi %shift_right_arithmetic3A_940, %broadcast_in_dim3A_942 : vector<16xi32>
    %gather3A_944 = tpu.vector_load_idx %arg5[%min3A_943] : memref<8192xi32, #tpu.memory_space<vmem>>[vector<16xi32>], vector<16xi32>,
    %le3A_945 = arith.cmpi sle, %gather3A_944, %add3A_769 : vector<16xi32>
    %and3A_946 = arith.andi %le3A_945, %lt3A_936 : vector<16xi1>
    %gt3A_947 = arith.cmpi sgt, %gather3A_944, %add3A_769 : vector<16xi32>
    %and3A_948 = arith.andi %gt3A_947, %lt3A_936 : vector<16xi1>
    %add3A_949 = arith.constant 1 : i32
    %add3A_950 = vector.broadcast %add3A_949 : i32 to vector<16xi32>
    %add3A_951 = arith.addi %shift_right_arithmetic3A_940, %add3A_950 : vector<16xi32>
    %select_n3A_952 = arith.select %and3A_946, %add3A_951, %select_n3A_934 : vector<16xi1>, vector<16xi32>
    %select_n3A_953 = arith.select %and3A_948, %shift_right_arithmetic3A_940, %select_n3A_935 : vector<16xi1>, vector<16xi32>
    %lt3A_954 = arith.cmpi slt, %select_n3A_952, %select_n3A_953 : vector<16xi32>
    %add3A_955 = arith.addi %select_n3A_952, %select_n3A_953 : vector<16xi32>
    %shift_right_arithmetic3A_956 = arith.constant 1 : i32
    %shift_right_arithmetic3A_957 = vector.broadcast %shift_right_arithmetic3A_956 : i32 to vector<16xi32>
    %shift_right_arithmetic3A_958 = arith.shrsi %add3A_955, %shift_right_arithmetic3A_957 : vector<16xi32>
    %broadcast_in_dim3A_959 = arith.constant 8191 : i32
    %broadcast_in_dim3A_960 = vector.broadcast %broadcast_in_dim3A_959 : i32 to vector<16xi32>
    %min3A_961 = arith.minsi %shift_right_arithmetic3A_958, %broadcast_in_dim3A_960 : vector<16xi32>
    %gather3A_962 = tpu.vector_load_idx %arg5[%min3A_961] : memref<8192xi32, #tpu.memory_space<vmem>>[vector<16xi32>], vector<16xi32>,
    %le3A_963 = arith.cmpi sle, %gather3A_962, %add3A_769 : vector<16xi32>
    %and3A_964 = arith.andi %le3A_963, %lt3A_954 : vector<16xi1>
    %gt3A_965 = arith.cmpi sgt, %gather3A_962, %add3A_769 : vector<16xi32>
    %and3A_966 = arith.andi %gt3A_965, %lt3A_954 : vector<16xi1>
    %add3A_967 = arith.constant 1 : i32
    %add3A_968 = vector.broadcast %add3A_967 : i32 to vector<16xi32>
    %add3A_969 = arith.addi %shift_right_arithmetic3A_958, %add3A_968 : vector<16xi32>
    %select_n3A_970 = arith.select %and3A_964, %add3A_969, %select_n3A_952 : vector<16xi1>, vector<16xi32>
    %select_n3A_971 = arith.select %and3A_966, %shift_right_arithmetic3A_958, %select_n3A_953 : vector<16xi1>, vector<16xi32>
    %lt3A_972 = arith.cmpi slt, %select_n3A_970, %select_n3A_971 : vector<16xi32>
    %add3A_973 = arith.addi %select_n3A_970, %select_n3A_971 : vector<16xi32>
    %shift_right_arithmetic3A_974 = arith.constant 1 : i32
    %shift_right_arithmetic3A_975 = vector.broadcast %shift_right_arithmetic3A_974 : i32 to vector<16xi32>
    %shift_right_arithmetic3A_976 = arith.shrsi %add3A_973, %shift_right_arithmetic3A_975 : vector<16xi32>
    %broadcast_in_dim3A_977 = arith.constant 8191 : i32
    %broadcast_in_dim3A_978 = vector.broadcast %broadcast_in_dim3A_977 : i32 to vector<16xi32>
    %min3A_979 = arith.minsi %shift_right_arithmetic3A_976, %broadcast_in_dim3A_978 : vector<16xi32>
    %gather3A_980 = tpu.vector_load_idx %arg5[%min3A_979] : memref<8192xi32, #tpu.memory_space<vmem>>[vector<16xi32>], vector<16xi32>,
    %le3A_981 = arith.cmpi sle, %gather3A_980, %add3A_769 : vector<16xi32>
    %and3A_982 = arith.andi %le3A_981, %lt3A_972 : vector<16xi1>
    %gt3A_983 = arith.cmpi sgt, %gather3A_980, %add3A_769 : vector<16xi32>
    %and3A_984 = arith.andi %gt3A_983, %lt3A_972 : vector<16xi1>
    %add3A_985 = arith.constant 1 : i32
    %add3A_986 = vector.broadcast %add3A_985 : i32 to vector<16xi32>
    %add3A_987 = arith.addi %shift_right_arithmetic3A_976, %add3A_986 : vector<16xi32>
    %select_n3A_988 = arith.select %and3A_982, %add3A_987, %select_n3A_970 : vector<16xi1>, vector<16xi32>
    %select_n3A_989 = arith.select %and3A_984, %shift_right_arithmetic3A_976, %select_n3A_971 : vector<16xi1>, vector<16xi32>
    %lt3A_990 = arith.cmpi slt, %select_n3A_988, %select_n3A_989 : vector<16xi32>
    %add3A_991 = arith.addi %select_n3A_988, %select_n3A_989 : vector<16xi32>
    %shift_right_arithmetic3A_992 = arith.constant 1 : i32
    %shift_right_arithmetic3A_993 = vector.broadcast %shift_right_arithmetic3A_992 : i32 to vector<16xi32>
    %shift_right_arithmetic3A_994 = arith.shrsi %add3A_991, %shift_right_arithmetic3A_993 : vector<16xi32>
    %broadcast_in_dim3A_995 = arith.constant 8191 : i32
    %broadcast_in_dim3A_996 = vector.broadcast %broadcast_in_dim3A_995 : i32 to vector<16xi32>
    %min3A_997 = arith.minsi %shift_right_arithmetic3A_994, %broadcast_in_dim3A_996 : vector<16xi32>
    %gather3A_998 = tpu.vector_load_idx %arg5[%min3A_997] : memref<8192xi32, #tpu.memory_space<vmem>>[vector<16xi32>], vector<16xi32>,
    %le3A_999 = arith.cmpi sle, %gather3A_998, %add3A_769 : vector<16xi32>
    %and3A_1000 = arith.andi %le3A_999, %lt3A_990 : vector<16xi1>
    %gt3A_1001 = arith.cmpi sgt, %gather3A_998, %add3A_769 : vector<16xi32>
    %and3A_1002 = arith.andi %gt3A_1001, %lt3A_990 : vector<16xi1>
    %add3A_1003 = arith.constant 1 : i32
    %add3A_1004 = vector.broadcast %add3A_1003 : i32 to vector<16xi32>
    %add3A_1005 = arith.addi %shift_right_arithmetic3A_994, %add3A_1004 : vector<16xi32>
    %select_n3A_1006 = arith.select %and3A_1000, %add3A_1005, %select_n3A_988 : vector<16xi1>, vector<16xi32>
    %select_n3A_1007 = arith.select %and3A_1002, %shift_right_arithmetic3A_994, %select_n3A_989 : vector<16xi1>, vector<16xi32>
    %sub3A_1008 = arith.constant 1 : i32
    %sub3A_1009 = vector.broadcast %sub3A_1008 : i32 to vector<16xi32>
    %sub3A_1010 = arith.subi %select_n3A_1006, %sub3A_1009 : vector<16xi32>
    %max3A_1011 = arith.constant 0 : i32
    %max3A_1012 = vector.broadcast %max3A_1011 : i32 to vector<16xi32>
    %max3A_1013 = arith.maxsi %sub3A_1010, %max3A_1012 : vector<16xi32>
    %gather3A_1014 = tpu.vector_load_idx %arg5[%max3A_1013] : memref<8192xi32, #tpu.memory_space<vmem>>[vector<16xi32>], vector<16xi32>,
    %ge3A_1015 = arith.constant 0 : i32
    %ge3A_1016 = vector.broadcast %ge3A_1015 : i32 to vector<16xi32>
    %ge3A_1017 = arith.cmpi sge, %sub3A_1010, %ge3A_1016 : vector<16xi32>
    %eq3A_1018 = arith.cmpi eq, %gather3A_1014, %add3A_769 : vector<16xi32>
    %and3A_1019 = arith.andi %ge3A_1017, %eq3A_1018 : vector<16xi1>
    %broadcast_in_dim3A_1020 = arith.constant 8192 : i32
    %broadcast_in_dim3A_1021 = vector.broadcast %broadcast_in_dim3A_1020 : i32 to vector<16xi32>
    %select_n3A_1022 = arith.select %and3A_1019, %sub3A_1010, %broadcast_in_dim3A_1021 : vector<16xi1>, vector<16xi32>
    %swap3A_1023 = arith.constant 48 : index
    %swap3A_1024 = tpu.vector_load %arg6[%swap3A_1023] {strides = array<i32>} : memref<64xi32, #tpu.memory_space<vmem>>, vector<16xi32>,
    tpu.vector_store %arg6[%swap3A_1023], %select_n3A_1022 {strides = array<i32>} : memref<64xi32, #tpu.memory_space<vmem>>, vector<16xi32>,
    %dma_start3A = arith.constant 0 : i32
    %dma_start3A_1025 = arith.constant 0 : i32
    %dma_start3A_1026 = tpu.memref_slice %arg3[%dma_start3A, %dma_start3A_1025] : memref<8200x128xf32, #tpu.memory_space<hbm>> -> memref<8200x128xf32, #tpu.memory_space<hbm>>
    tpu.enqueue_indirect_dma source(%dma_start3A_1026 : memref<8200x128xf32, #tpu.memory_space<hbm>>) target(%arg7 : memref<64x128xf32, #tpu.memory_space<vmem>>) offsets(%arg6 : memref<64xi32, #tpu.memory_space<vmem>>) semaphore(%arg8 : memref<!tpu.dma_semaphore, #tpu.memory_space<semaphore_mem>>)
    %dma_wait3A = arith.constant 0 : i32
    %dma_wait3A_1027 = arith.constant 0 : i32
    %dma_wait3A_1028 = tpu.memref_slice %arg3[%dma_wait3A, %dma_wait3A_1027] : memref<8200x128xf32, #tpu.memory_space<hbm>> -> memref<8200x128xf32, #tpu.memory_space<hbm>>
    tpu.wait_indirect_dma semaphore(%arg8 : memref<!tpu.dma_semaphore, #tpu.memory_space<semaphore_mem>>) src(%dma_wait3A_1028 : memref<8200x128xf32, #tpu.memory_space<hbm>>) dst(%arg7 : memref<64x128xf32, #tpu.memory_space<vmem>>)
    "tpu.region"() ({
      %run_scoped3A = tpu.sem_alloc : memref<!tpu.dma_semaphore, #tpu.memory_space<semaphore_mem>>
      %dma_start3A_1029 = arith.constant 0 : i32
      %dma_start3A_1030 = tpu.memref_slice %arg4[%mul3A_2, %dma_start3A_1029] : memref<2048x128xf32, #tpu.memory_space<hbm>> -> memref<64x128xf32, #tpu.memory_space<hbm>>
      %dma_start3A_1031 = arith.constant 0 : i32
      %dma_start3A_1032 = tpu.memref_slice %arg4[%mul3A_2, %dma_start3A_1031] : memref<2048x128xf32, #tpu.memory_space<hbm>> -> memref<64x128xf32, #tpu.memory_space<hbm>>
      tpu.enqueue_dma source(%arg7 : memref<64x128xf32, #tpu.memory_space<vmem>>) target(%dma_start3A_1032 : memref<64x128xf32, #tpu.memory_space<hbm>>) target_semaphore(%run_scoped3A : memref<!tpu.dma_semaphore, #tpu.memory_space<semaphore_mem>>)
      %dma_wait3A_1033 = arith.constant 0 : i32
      %dma_wait3A_1034 = tpu.memref_slice %arg4[%mul3A_2, %dma_wait3A_1033] : memref<2048x128xf32, #tpu.memory_space<hbm>> -> memref<64x128xf32, #tpu.memory_space<hbm>>
      %dma_wait3A_1035 = arith.constant 0 : i32
      %dma_wait3A_1036 = tpu.memref_slice %arg4[%mul3A_2, %dma_wait3A_1035] : memref<2048x128xf32, #tpu.memory_space<hbm>> -> memref<64x128xf32, #tpu.memory_space<hbm>>
      tpu.wait_dma2 semaphore(%run_scoped3A : memref<!tpu.dma_semaphore, #tpu.memory_space<semaphore_mem>>) src(%arg7 : memref<64x128xf32, #tpu.memory_space<vmem>>) dst(%dma_wait3A_1036 : memref<64x128xf32, #tpu.memory_space<hbm>>)
      tpu.yield
    }) : () -> ()
    return
  }
}

module attributes {stable_mosaic.version = 14 : i64} {
  func.func @_tc_scan_body(%arg0: memref<8192x128xf32, #tpu.memory_space<vmem>>, %arg1: memref<8192x128xf32, #tpu.memory_space<vmem>>, %arg2: memref<128x128xf32, #tpu.memory_space<vmem>>, %arg3: memref<1x128xf32, #tpu.memory_space<vmem>>, %arg4: memref<8200x128xf32, #tpu.memory_space<vmem>>, %arg5: memref<2x12288x128xf32, #tpu.memory_space<vmem>>, %arg6: memref<12288x128xf32, #tpu.memory_space<vmem>>, %arg7: memref<128x128xf32, #tpu.memory_space<vmem>>) attributes {dimension_semantics = [], scalar_prefetch = 0 : i64, scratch_operands = 3 : i64, tpu.core_type = #tpu.core_type<tc>} {
    %get3A = arith.constant 0 : index
    %get3A_0 = arith.constant 0 : index
    %get3A_1 = vector.load %arg2[%get3A, %get3A_0] : memref<128x128xf32, #tpu.memory_space<vmem>>, vector<128x128xf32>
    %swap3A = arith.constant 0 : index
    %swap3A_2 = arith.constant 0 : index
    %swap3A_3 = vector.load %arg7[%swap3A, %swap3A_2] : memref<128x128xf32, #tpu.memory_space<vmem>>, vector<128x128xf32>
    tpu.vector_store %arg7[%swap3A, %swap3A_2], %get3A_1 {strides = array<i32>} : memref<128x128xf32, #tpu.memory_space<vmem>>, vector<128x128xf32>,
    %broadcast_in_dim3A = arith.constant -1.000000e+00 : f32
    %broadcast_in_dim3A_4 = vector.broadcast %broadcast_in_dim3A : f32 to vector<4096x128xf32>
    %swap3A_5 = arith.constant 0 : index
    %swap3A_6 = arith.constant 0 : index
    %swap3A_7 = vector.load %arg6[%swap3A_5, %swap3A_6] : memref<12288x128xf32, #tpu.memory_space<vmem>>, vector<4096x128xf32>
    tpu.vector_store %arg6[%swap3A_5, %swap3A_6], %broadcast_in_dim3A_4 {strides = array<i32>} : memref<12288x128xf32, #tpu.memory_space<vmem>>, vector<4096x128xf32>,
    %get3A_8 = arith.constant 0 : index
    %get3A_9 = arith.constant 0 : index
    %get3A_10 = vector.load %arg1[%get3A_8, %get3A_9] : memref<8192x128xf32, #tpu.memory_space<vmem>>, vector<8192x128xf32>
    %swap3A_11 = arith.constant 4096 : index
    %swap3A_12 = arith.constant 0 : index
    %swap3A_13 = vector.load %arg6[%swap3A_11, %swap3A_12] : memref<12288x128xf32, #tpu.memory_space<vmem>>, vector<8192x128xf32>
    tpu.vector_store %arg6[%swap3A_11, %swap3A_12], %get3A_10 {strides = array<i32>} : memref<12288x128xf32, #tpu.memory_space<vmem>>, vector<8192x128xf32>,
    %get3A_14 = arith.constant 0 : index
    %get3A_15 = arith.constant 0 : index
    %get3A_16 = vector.load %arg0[%get3A_14, %get3A_15] : memref<8192x128xf32, #tpu.memory_space<vmem>>, vector<8192x128xf32>
    %dot_general3A = arith.constant dense<0.000000e+00> : vector<8192x128xf32>
    %dot_general3A_17 = tpu.matmul %get3A_16, %get3A_1, %dot_general3A {dimension_numbers = #tpu.dot_dimension_numbers<[1], [1], [0], [0], [0, 0, 1, 0], [], []>, transpose_lhs_hint = false} : vector<8192x128xf32>, vector<128x128xf32>, vector<8192x128xf32> -> vector<8192x128xf32>
    %get3A_18 = arith.constant 0 : index
    %get3A_19 = arith.constant 0 : index
    %get3A_20 = vector.load %arg3[%get3A_18, %get3A_19] : memref<1x128xf32, #tpu.memory_space<vmem>>, vector<1x128xf32>
    %add3A = vector.broadcast %get3A_20 : vector<1x128xf32> to vector<8192x128xf32>
    %add3A_21 = arith.addf %dot_general3A_17, %add3A : vector<8192x128xf32>
    %swap3A_22 = arith.constant 0 : index
    %swap3A_23 = arith.constant 4096 : index
    %swap3A_24 = arith.constant 0 : index
    %swap3A_25 = vector.load %arg5[%swap3A_22, %swap3A_23, %swap3A_24] : memref<2x12288x128xf32, #tpu.memory_space<vmem>>, vector<1x8192x128xf32>
    %swap3A_26 = vector.shape_cast %swap3A_25 : vector<1x8192x128xf32> to vector<8192x128xf32>
    %swap3A_27 = vector.shape_cast %add3A_21 : vector<8192x128xf32> to vector<1x8192x128xf32>
    tpu.vector_store %arg5[%swap3A_22, %swap3A_23, %swap3A_24], %swap3A_27 {strides = array<i32>} : memref<2x12288x128xf32, #tpu.memory_space<vmem>>, vector<1x8192x128xf32>,
    %while3A = arith.constant 0 : i32
    %while3A_28 = arith.constant 0 : i32
    %while3A_29 = arith.constant 1 : i32
    %while3A_30:3 = scf.while (%while3A_44 = %while3A, %while3A_45 = %while3A_28, %while3A_46 = %while3A_29) : (i32, i32, i32) -> (i32, i32, i32) {
      %lt3A = arith.constant 13 : i32
      %lt3A_47 = arith.cmpi slt, %while3A_44, %lt3A : i32
      %eq3A = arith.constant 1 : i32
      %eq3A_48 = arith.cmpi eq, %while3A_46, %eq3A : i32
      %and3A = arith.andi %lt3A_47, %eq3A_48 : i1
      scf.condition(%and3A) %while3A_44, %while3A_45, %while3A_46 : i32, i32, i32
    } do {
    ^bb0(%while3A_44: i32, %while3A_45: i32, %while3A_46: i32):
      %sub3A = arith.constant 1 : i32
      %sub3A_47 = arith.subi %sub3A, %while3A_45 : i32
      %shift_left3A = arith.constant 1 : i32
      %shift_left3A_48 = arith.shli %shift_left3A, %while3A_44 : i32
      %get3A_49 = arith.constant 0 : index
      %get3A_50 = arith.constant 0 : index
      %get3A_51 = vector.load %arg7[%get3A_49, %get3A_50] : memref<128x128xf32, #tpu.memory_space<vmem>>, vector<128x128xf32>
      %get3A_52 = arith.constant 4096 : index
      %get3A_53 = arith.constant 0 : index
      %get3A_54 = vector.load %arg6[%get3A_52, %get3A_53] : memref<12288x128xf32, #tpu.memory_space<vmem>>, vector<8192x128xf32>
      %sub3A_55 = arith.constant 4096 : i32
      %sub3A_56 = arith.subi %sub3A_55, %shift_left3A_48 : i32
      %get3A_57 = arith.index_cast %sub3A_56 : i32 to index
      %get3A_58 = arith.constant 0 : index
      %get3A_59 = vector.load %arg6[%get3A_57, %get3A_58] : memref<12288x128xf32, #tpu.memory_space<vmem>>, vector<8192x128xf32>
      %sub3A_60 = arith.subf %get3A_54, %get3A_59 : vector<8192x128xf32>
      %abs3A = math.absf %sub3A_60 : vector<8192x128xf32>
      %lt3A = arith.constant 5.000000e-01 : f32
      %lt3A_61 = vector.broadcast %lt3A : f32 to vector<8192x128xf32>
      %lt3A_62 = arith.cmpf olt, %abs3A, %lt3A_61 : vector<8192x128xf32>
      %get3A_63 = arith.index_cast %while3A_45 : i32 to index
      %get3A_64 = arith.constant 4096 : index
      %get3A_65 = arith.constant 0 : index
      %get3A_66 = vector.load %arg5[%get3A_63, %get3A_64, %get3A_65] : memref<2x12288x128xf32, #tpu.memory_space<vmem>>, vector<1x8192x128xf32>
      %get3A_67 = vector.shape_cast %get3A_66 : vector<1x8192x128xf32> to vector<8192x128xf32>
      %sub3A_68 = arith.constant 4096 : i32
      %sub3A_69 = arith.subi %sub3A_68, %shift_left3A_48 : i32
      %get3A_70 = arith.index_cast %while3A_45 : i32 to index
      %get3A_71 = arith.index_cast %sub3A_69 : i32 to index
      %get3A_72 = arith.constant 0 : index
      %get3A_73 = vector.load %arg5[%get3A_70, %get3A_71, %get3A_72] : memref<2x12288x128xf32, #tpu.memory_space<vmem>>, vector<1x8192x128xf32>
      %get3A_74 = vector.shape_cast %get3A_73 : vector<1x8192x128xf32> to vector<8192x128xf32>
      %broadcast_in_dim3A_75 = arith.constant 0.000000e+00 : f32
      %broadcast_in_dim3A_76 = vector.broadcast %broadcast_in_dim3A_75 : f32 to vector<8192x128xf32>
      %select_n3A = arith.select %lt3A_62, %get3A_74, %broadcast_in_dim3A_76 : vector<8192x128xi1>, vector<8192x128xf32>
      %dot_general3A_77 = arith.constant dense<0.000000e+00> : vector<8192x128xf32>
      %dot_general3A_78 = tpu.matmul %select_n3A, %get3A_51, %dot_general3A_77 {dimension_numbers = #tpu.dot_dimension_numbers<[1], [1], [0], [0], [0, 0, 1, 0], [], []>, transpose_lhs_hint = false} : vector<8192x128xf32>, vector<128x128xf32>, vector<8192x128xf32> -> vector<8192x128xf32>
      %add3A_79 = arith.addf %get3A_67, %dot_general3A_78 : vector<8192x128xf32>
      %swap3A_80 = arith.index_cast %sub3A_47 : i32 to index
      %swap3A_81 = arith.constant 4096 : index
      %swap3A_82 = arith.constant 0 : index
      %swap3A_83 = vector.load %arg5[%swap3A_80, %swap3A_81, %swap3A_82] : memref<2x12288x128xf32, #tpu.memory_space<vmem>>, vector<1x8192x128xf32>
      %swap3A_84 = vector.shape_cast %swap3A_83 : vector<1x8192x128xf32> to vector<8192x128xf32>
      %swap3A_85 = vector.shape_cast %add3A_79 : vector<8192x128xf32> to vector<1x8192x128xf32>
      tpu.vector_store %arg5[%swap3A_80, %swap3A_81, %swap3A_82], %swap3A_85 {strides = array<i32>} : memref<2x12288x128xf32, #tpu.memory_space<vmem>>, vector<1x8192x128xf32>,
      %dot_general3A_86 = arith.constant dense<0.000000e+00> : vector<128x128xf32>
      %dot_general3A_87 = tpu.matmul %get3A_51, %get3A_51, %dot_general3A_86 {dimension_numbers = #tpu.dot_dimension_numbers<[1], [0], [0], [1], [0, 0, 1, 1], [], []>, transpose_lhs_hint = false} : vector<128x128xf32>, vector<128x128xf32>, vector<128x128xf32> -> vector<128x128xf32>
      %swap3A_88 = arith.constant 0 : index
      %swap3A_89 = arith.constant 0 : index
      %swap3A_90 = vector.load %arg7[%swap3A_88, %swap3A_89] : memref<128x128xf32, #tpu.memory_space<vmem>>, vector<128x128xf32>
      tpu.vector_store %arg7[%swap3A_88, %swap3A_89], %dot_general3A_87 {strides = array<i32>} : memref<128x128xf32, #tpu.memory_space<vmem>>, vector<128x128xf32>,
      %add3A_91 = arith.constant 1 : i32
      %add3A_92 = arith.addi %while3A_44, %add3A_91 : i32
      %jit3A = arith.constant 1 : i32
      %jit3A_93 = arith.constant 0 : i32
      %broadcast_in_dim3A_94 = vector.broadcast %jit3A : i32 to vector<8192x128xi32>
      %broadcast_in_dim3A_95 = vector.broadcast %jit3A_93 : i32 to vector<8192x128xi32>
      %select_n3A_96 = arith.select %lt3A_62, %broadcast_in_dim3A_94, %broadcast_in_dim3A_95 : vector<8192x128xi1>, vector<8192x128xi32>
      %reduce_max3A = vector.shape_cast %select_n3A_96 : vector<8192x128xi32> to vector<1x8192x128xi32>
      %reduce_max3A_97 = arith.constant dense<-2147483648> : vector<1xi32>
      %reduce_max3A_98 = vector.multi_reduction <maxsi>, %reduce_max3A, %reduce_max3A_97 [1, 2] : vector<1x8192x128xi32> to vector<1xi32>
      %reduce_max3A_99 = vector.shape_cast %reduce_max3A_98 : vector<1xi32> to vector<1x1x1xi32>
      %reduce_max3A_100 = vector.extract %reduce_max3A_99[0, 0, 0] : i32 from vector<1x1x1xi32>
      scf.yield %add3A_92, %sub3A_47, %reduce_max3A_100 : i32, i32, i32
    }
    %get3A_31 = arith.index_cast %while3A_30#1 : i32 to index
    %get3A_32 = arith.constant 4096 : index
    %get3A_33 = arith.constant 0 : index
    %get3A_34 = vector.load %arg5[%get3A_31, %get3A_32, %get3A_33] : memref<2x12288x128xf32, #tpu.memory_space<vmem>>, vector<1x8192x128xf32>
    %get3A_35 = vector.shape_cast %get3A_34 : vector<1x8192x128xf32> to vector<8192x128xf32>
    %swap3A_36 = arith.constant 0 : index
    %swap3A_37 = arith.constant 0 : index
    %swap3A_38 = vector.load %arg4[%swap3A_36, %swap3A_37] : memref<8200x128xf32, #tpu.memory_space<vmem>>, vector<8192x128xf32>
    tpu.vector_store %arg4[%swap3A_36, %swap3A_37], %get3A_35 {strides = array<i32>} : memref<8200x128xf32, #tpu.memory_space<vmem>>, vector<8192x128xf32>,
    %broadcast_in_dim3A_39 = arith.constant 0.000000e+00 : f32
    %broadcast_in_dim3A_40 = vector.broadcast %broadcast_in_dim3A_39 : f32 to vector<8x128xf32>
    %swap3A_41 = arith.constant 8192 : index
    %swap3A_42 = arith.constant 0 : index
    %swap3A_43 = vector.load %arg4[%swap3A_41, %swap3A_42] : memref<8200x128xf32, #tpu.memory_space<vmem>>, vector<8x128xf32>
    tpu.vector_store %arg4[%swap3A_41, %swap3A_42], %broadcast_in_dim3A_40 {strides = array<i32>} : memref<8200x128xf32, #tpu.memory_space<vmem>>, vector<8x128xf32>,
    return
  }
}

</mosaic_0001>

<sc_bundles>
// kernel: kernel.5.cloned.1.call-start
scs
__scs_entry_jumppad:
0x0: {  	(pc) =	sbr.rel $0x88, $3  }
0x1: {  	(tag) =	ssettag $0x0;
	lr =	simm.s32 $0x1  }
0x2: {  	[smem:$0x3F9C] =	sst lr;
	_ =	strace $0xD0000000  }
0x3: {  	_ = 	snop  }
0x4: {  	_ = 	snop  }
0x5: {  	_ = 	snop  }
0x6: {  	_ = 	snop  }
0x7: {  	_ = 	snop  }
__scs_overlays_trampoline_lowered:
0x8: {  	[smem:$0x3FAB] =	sst s0  }
0x9: {  	[smem:$0x3FAC] =	sst s1  }
0xa: {  	[smem:$0x3FAD] =	sst s2  }
0xb: {  	[smem:$0x3FAE] =	sst s3  }
0xc: {  	[smem:$0x3FAF] =	sst s4  }
0xd: {  	[smem:$0x3FB0] =	sst s5  }
0xe: {  	[smem:$0x3FB1] =	sst s6  }
0xf: {  	[smem:$0x3FB2] =	sst s7  }
0x10: {  	[smem:$0x3FB3] =	sst s8  }
0x11: {  	[smem:$0x3FB4] =	sst s9;
	s0 =	simm.s32 @!p0 $0x0  }
0x12: {  	s1 =	sld [smem:$0x3F9A];
	s0 =	simm.s32 @p0 $0x1  }
0x13: {  	[smem:$0x3FB5] =	sst s0;
	s0 =	simm.s32 @!p1 $0x0  }
0x14: {  	s2 =	sld [smem:$0x3F99];
	s0 =	simm.s32 @p1 $0x1  }
0x15: {  	[smem:$0x3FB6] =	sst s0;
	s0 =	simm.s32 @!p2 $0x0  }
0x16: {  	s3 =	sld [smem:$0x3FDB];
	s0 =	simm.s32 @p2 $0x1  }
0x17: {  	s4 =	simm.s32 $0x1BF5;
	[smem:$0x3FB8] =	sst s0  }
0x18: {  	s0 =	sld [smem:$0x3F9B];
	_ =	swait.ge [sflag:s4], $0x0  }
0x19: {  	s7 =	sld [smem:$0x3F9C]  }
0x1a: {  	s8 =	sadd.s32 $0xFFFFE003, lr  }
0x1b: {  	s9 =	sadd.s32 $0xFFFFFEF7, lr;
	s5 =	simm.s32 $0xFFFFFFFF;
	p2 =	slt.u32 s8, $0xFFFFF086  }
0x1c: {  	p1 =	slt.u32 s9, $0xF7A;
	s5 =	simm.s32 @!p2 $0x0  }
0x1d: {  	s5 =	simm.s32 @p1 $0x1;
	p0 =	seq.s32 s7, s2  }
0x1e: {  	s7 =	smul.u32 @!p0 $0xF7A, s2;
	p2 =	seq.s32 @!p0 s5, $0x0  }
0x1f: {  	s9 =	smul.u32 $0xF7A, s1;
	s8 =	simm.s32 @!p0 $0x1BF5;
	p2 =	por !p2, p0  }
0x20: {  	[sflag:s8] =	ssyncset.s32 @!p0 $0xFFFFF086;
	s6 =	sadd.s32 @!p0 s3, s7;
	s7 =	simm.s32 @!p0 $0x108  }
0x21: {  	s3 =	sadd.s32 s3, s9;
	s6 =	sadd.s32 @!p0 $0x88, s6;
	s7 =	simm.s32 @p2 $0x1082  }
0x22: {  	[simem:s7], [sflag:s8] =	dma.local @!p0 [hbm:s6], $0xF7A  }
0x23: {  	s9 =	sor.u32 $0xD0000000, s2;
	s6 =	simm.s32 $0x108;
	_ =	swait.ge @!p0 [sflag:s8], $0x0  }
0x24: {  	s3 =	sadd.s32 $0x88, s3;
	s6 =	simm.s32 @!p1 $0x1082;
	[sflag:s4] =	ssyncset.s32 $0xFFFFF086  }
0x25: {  	[simem:s6], [sflag:s4] =	dma.local [hbm:s3], $0xF7A  }
0x26: {  	[smem:$0x3F9C] =	sst s1;
	(tag) =	ssettag s2;
	_ =	strace s9  }
0x27: {  	s1 =	sld [smem:$0x3FAC]  }
0x28: {  	s2 =	sld [smem:$0x3FAD]  }
0x29: {  	s4 =	sld [smem:$0x3FAF]  }
0x2a: {  	p0 =	seq.s32 s5, $0x0;
	s5 =	sld [smem:$0x3FB0]  }
0x2b: {  	s6 =	sld [smem:$0x3FB1]  }
0x2c: {  	s7 =	sld [smem:$0x3FB2]  }
0x2d: {  	s3 =	simm.s32 $0x108;
	s8 =	sld [smem:$0x3FB3]  }
0x2e: {  	s3 =	simm.s32 @!p0 $0x1082;
	s9 =	sld [smem:$0x3FB4]  }
0x2f: {  	lr =	sadd.s32 s0, s3;
	s0 =	sld [smem:$0x3FAB]  }
0x30: {  	s3 =	sld [smem:$0x3FAE]  }
0x31: {  	[smem:$0x3FB7] =	sst s10  }
0x32: {  	s10 =	sld [smem:$0x3FB5];
	_ =	sdelay $0x3  }
0x33: {  	p0 =	seq.s32 s10, $0x1;
	s10 =	sld [smem:$0x3FB7];
	_ =	sdelay $0x3  }
0x34: {  	[smem:$0x3FB7] =	sst s10  }
0x35: {  	s10 =	sld [smem:$0x3FB6];
	_ =	sdelay $0x3  }
0x36: {  	p1 =	seq.s32 s10, $0x1;
	s10 =	sld [smem:$0x3FB7];
	_ =	sdelay $0x3  }
0x37: {  	[smem:$0x3FB7] =	sst s10  }
0x38: {  	s10 =	sld [smem:$0x3FB8]  }
0x39: {  	_ = 	snop;
	(pc) =	sbr.ind lr, $3  }
0x3a: {  	_ = 	snop  }
0x3b: {  	_ = 	snop  }
0x3c: {  	p2 =	seq.s32 s10, $0x1;
	s10 =	sld [smem:$0x3FB7]  }
0x3d: {  	_ =	shalt  }
0x3e: {  	_ =	shalt  }
0x3f: {  	_ =	shalt  }
0x40: {  	_ =	shalt  }
0x41: {  	_ =	shalt  }
0x42: {  	_ =	shalt  }
0x43: {  	_ =	shalt  }
0x44: {  	_ =	shalt  }
0x45: {  	_ =	shalt  }
0x46: {  	_ =	shalt  }
0x47: {  	_ =	shalt  }
0x48: {  	_ =	shalt  }
0x49: {  	_ =	shalt  }
0x4a: {  	_ =	shalt  }
0x4b: {  	_ =	shalt  }
0x4c: {  	_ =	shalt  }
0x4d: {  	_ =	shalt  }
0x4e: {  	_ =	shalt  }
0x4f: {  	_ =	shalt  }
0x50: {  	_ =	shalt  }
0x51: {  	_ =	shalt  }
0x52: {  	_ =	shalt  }
0x53: {  	_ =	shalt  }
0x54: {  	_ =	shalt  }
0x55: {  	_ =	shalt  }
0x56: {  	_ =	shalt  }
0x57: {  	_ =	shalt  }
0x58: {  	_ =	shalt  }
0x59: {  	_ =	shalt  }
0x5a: {  	_ =	shalt  }
0x5b: {  	_ =	shalt  }
0x5c: {  	_ =	shalt  }
0x5d: {  	_ =	shalt  }
0x5e: {  	_ =	shalt  }
0x5f: {  	_ =	shalt  }
0x60: {  	_ =	shalt  }
0x61: {  	_ =	shalt  }
0x62: {  	_ =	shalt  }
0x63: {  	_ =	shalt  }
0x64: {  	_ =	shalt  }
0x65: {  	_ =	shalt  }
0x66: {  	_ =	shalt  }
0x67: {  	_ =	shalt  }
0x68: {  	_ =	shalt  }
0x69: {  	_ =	shalt  }
0x6a: {  	_ =	shalt  }
0x6b: {  	_ =	shalt  }
0x6c: {  	_ =	shalt  }
0x6d: {  	_ =	shalt  }
0x6e: {  	_ =	shalt  }
0x6f: {  	_ =	shalt  }
0x70: {  	_ =	shalt  }
0x71: {  	_ =	shalt  }
0x72: {  	_ =	shalt  }
0x73: {  	_ =	shalt  }
0x74: {  	_ =	shalt  }
0x75: {  	_ =	shalt  }
0x76: {  	_ =	shalt  }
0x77: {  	_ =	shalt  }
0x78: {  	_ =	shalt  }
0x79: {  	_ =	shalt  }
0x7a: {  	_ =	shalt  }
0x7b: {  	_ =	shalt  }
0x7c: {  	_ =	shalt  }
0x7d: {  	_ =	shalt  }
0x7e: {  	_ =	shalt  }
0x7f: {  	_ =	shalt  }
0x80: {  	_ =	shalt  }
0x81: {  	_ =	shalt  }
0x82: {  	_ =	shalt  }
0x83: {  	_ =	shalt  }
0x84: {  	_ =	shalt  }
0x85: {  	_ =	shalt  }
0x86: {  	_ =	shalt  }
0x87: {  	_ =	shalt  }
.Lfunc_end0:
.L_simem_size_0:
called_computation_lowered:
.L_overlay_start_0:
0x88: {  	s2 =	sld [smem:$0x3FD9]  }
0x89: {  	s3 =	sld [smem:$0x3FFE];
	_ =	sdelay $0x1  }
0x8a: {  	s1 =	srdreg.scid  }
0x8b: {  	s0 =	sand.u32 $0x1, s1  }
0x8c: {  	s17 =	sshll.u32 s0, $0xA;
	s2 =	sadd.s32 s3, s2  }
0x8d: {  	s2 =	sadd.s32 s2, s17  }
0x8e: {  	[smem:$0x3FC3] =	sst s2  }
0x8f: {  	_ = 	snop  }
0x90: {  	s2 =	sld [smem:$0x3FC9]  }
0x91: {  	s18 =	sld [smem:$0x3FC8];
	(tm) =	ssettm $0x1  }
0x92: {  	s4 =	sld [smem:$0x3FFB];
	_ =	sdelay $0x3  }
0x93: {  	_ =	strace s4  }
0x94: {  	s4 =	sld [smem:$0x3FFC];
	_ =	sdelay $0x3  }
0x95: {  	_ =	strace s4  }
0x96: {  	s4 =	sld [smem:$0x3FFD];
	_ =	sdelay $0x3  }
0x97: {  	_ =	strace s4  }
0x98: {  	_ =	strace $0x8FFFFFFF  }
0x99: {  	s19 =	sld [smem:$0x3FDB];
	_ =	sdelay $0x1  }
0x9a: {  	s5 =	simm.s32 $_scs_section_size  }
0x9b: {  	s6 =	simm.s32 $_size__tile_overlayer_lowered;
	s7 =	simm.s32 $_tile_overlayer_lowered  }
0x9c: {  	s22 =	simm.s32 $0x1BFF;
	s21 =	sshll.u32 s7, $0x1;
	s4 =	sadd.s32 s5, s19  }
0x9d: {  	s8 =	simm.s32 $0x0;
	s20 =	sshll.u32 s6, $0x1;
	s6 =	sadd.s32 s21, s4  }
0x9e: {  	[timem:s8], [sflag:s22] =	dma.local [hbm:s6], s20  }
0x9f: {  	_ =	swait.ge [sflag:s22], s20  }
0xa0: {  	s5 =	ssub.s32 $0x0, s20;
	[sflag:s22] =	ssyncset.done $0x0  }
0xa1: {  	[sflag:s22] =	ssyncadd.s32 s5;
	_ =	sdelay $0x1  }
0xa2: {  	s23 =	simm.s32 $0x1B8B  }
0xa3: {  	_ =	swait.ge [sflag:s23], $0x1  }
0xa4: {  	[sflag:s23] =	ssyncset.done $0x0  }
0xa5: {  	s25 =	simm.s32 $0x1B8E;
	s24 =	sld [smem:$0x3FFE];
	[sflag:s23] =	ssyncadd.s32 $0xFFFFFFFF  }
0xa6: {  	s26 =	simm.s32 $execute0_lowered;
	[smem:$0x3FD2] =	sst s25  }
0xa7: {  	s6 =	sshll.u32 s26, $0x1;
	_ =	strace $0x80000046;
	[dreg:$0x1] =	wrdreg $0xFFFFFFFF  }
0xa8: {  	s28 =	simm.s32 $_size_execute0_lowered;
	s4 =	sadd.s32 s4, s6;
	[dreg:$0x0] =	wrdreg $0x0  }
0xa9: {  	s6 =	sshll.u32 s28, $0x1;
	[dreg:$0x2] =	wrdreg s4  }
0xaa: {  	[dreg:$0x3] =	wrdreg s6  }
0xab: {  	[dreg:$0x4] =	wrdreg $0xC0  }
0xac: {  	_ =	task [dreg:s8], $0x5FFFF  }
0xad: {  	[dreg:$0x1] =	wrdreg $0xFFFFFFFF  }
0xae: {  	[dreg:$0x0] =	wrdreg $0x60  }
0xaf: {  	[dreg:$0x2] =	wrdreg s2  }
0xb0: {  	[dreg:$0x3] =	wrdreg s24  }
0xb1: {  	[dreg:$0x4] =	wrdreg s18  }
0xb2: {  	[dreg:$0x5] =	wrdreg $0x9  }
0xb3: {  	_ =	task.clear_ibuf [dreg:s8], $0x6FFFF;
	_ =	strace $0x90000046  }
0xb4: {  	s29 =	simm.s32 $0x9;
	_ =	strace $0x80000048  }
0xb5: {  	_ =	swait.ge [sflag:s29], $0x1  }
0xb6: {  	[sflag:s29] =	ssyncadd.s32 $0xFFFFFFFF  }
0xb7: {  	_ =	strace $0x90000048  }
0xb8: {  	_ =	sfence  }
0xb9: {  	s30 =	sld [smem:$0x0];
	_ =	sdelay $0x2  }
0xba: {  	s31 =	sshll.u32 s1, $0xD;
	s1 =	sshrl.u32 s1, $0x2  }
0xbb: {  	s3 =	sand.u32 $0x4000, s31;
	s1 =	sadd.s32 s1, s30  }
0xbc: {  	s0 =	sor.u32 s3, s0;
	s1 =	sshll.u32 s1, $0x11  }
0xbd: {  	s0 =	sor.u32 s1, s0  }
0xbe: {  	s0 =	sadd.s32 $0x8F2B, s0  }
0xbf: {  	[sflag:s0] =	ssyncadd.remote.s32 $0x1  }
0xc0: {  	_ =	sfence.sel $0xFFFF  }
0xc1: {  	[dreg:$0x0] =	wrdreg $0xFFFFFFFF;
	(pc) =	sbr.abs _section_cstart, $3  }
0xc2: {  	[dreg:$0x1] =	wrdreg $0xFFFFFFFF  }
0xc3: {  	_ =	task.clear_ibuf [dreg:s8], $0x2FFFF;
	_ =	strace $0x9FFFFFFF  }
0xc4: {  	(tm) =	ssettm $0x7FFFFFFF  }
0xc5: {  	_ =	shalt  }
tec
execute0_lowered:
.L_overlay_start_1:
0x0: {  	(tag) =	ssettag $0x1  }
0x1: {  	s2 =	srdreg.scid  }
0x2: {  	s0 =	stileid.u32;
	s13 =	sand.u32 $0x1, s2  }
0x3: {  	s1 =	rddreg [dreg:$0x0];
	s29 =	sshll.u32 s0, $0x9;
	s4 =	sshll.u32 s13, $0x8  }
0x4: {  	s14 =	rddreg [dreg:$0x1];
	s15 =	sor.u32 s4, s29  }
0x5: {  	s3 =	rddreg [dreg:$0x2];
	s4 =	simm.s32 $0x0;
	s5 =	sshrl.u32 s15, $0x3  }
0x6: {  	s6 =	simm.s32 $0x2;
	[smem:$0x7FF] =	sst s4;
	s5 =	sadd.s32 s14, s5  }
0x7: {  	s2 =	rddreg [dreg:$0x3];
	_ =	strace $0x80000047;
	s7 =	sadd.s32 $0x400, s5  }
0x8: {  	[tilespmem:s4], [sflag:$0x2] =	stream.linear.gather [hbm4b:s7+s4], $0x100, $0x38;
	[tilespmem:$0xA200] =	vst v63  }
0x9: {  	_ =	swait.ge [sflag:s6], $0x100  }
0xa: {  	[sflag:s6] =	ssyncset.done $0x0  }
0xb: {  	s8 =	simm.s32 $0x80;
	s9 =	simm.s32 $0x100;
	[sflag:s6] =	ssyncadd.s32 $0xFFFFFF00  }
0xc: {  	[tilespmem:s9], [sflag:$0x1] =	stream.indirect.gather [hbm4b:s1+s8], $0x80, s4, s8, $0xb8;
	[tilespmem:$0xA200] =	vst v63  }
0xd: {  	s10 =	simm.s32 $0x4100  }
0xe: {  	[tilespmem:s10], [sflag:$0x1] =	stream.indirect.gather [hbm4b:s1+s8], $0x80, s8, s8, $0xb8;
	[tilespmem:$0xA200] =	vst v63  }
0xf: {  	s11 =	simm.s32 $0x8100  }
0x10: {  	[tilespmem:s11], [sflag:$0x2] =	stream.linear.gather [hbm4b:s3+s4], $0x2000, $0x38;
	[tilespmem:$0xA200] =	vst v63  }
0x11: {  	_ =	swait.ge [sflag:s6], $0x2000  }
0x12: {  	[sflag:s6] =	ssyncset.done $0x0  }
0x13: {  	[sflag:s6] =	ssyncadd.s32 $0xFFFFE000  }
0x14: {  	v0 =	vld [tilespmem:$0x0];
	_ =	sdelay $0x5  }
0x15: {  	v1 =	vld [tilespmem:$0x10];
	_ =	sdelay $0x1  }
0x16: {  	v0 =	vld.idx.msk [tilespmem:v0+s11+$0x0], $0xffff;
	_ =	sdelay $0x3  }
0x17: {  	v2 =	vld [tilespmem:$0x20]  }
0x18: {  	[tilespmem:$0xA100] =	vst v0  }
0x19: {  	v0 =	vld.idx.msk [tilespmem:v1+s11+$0x0], $0xffff;
	_ =	sdelay $0x3  }
0x1a: {  	v51 =	vld [tilespmem:$0x30]  }
0x1b: {  	[tilespmem:$0xA110] =	vst v0  }
0x1c: {  	v0 =	vld.idx.msk [tilespmem:v2+s11+$0x0], $0xffff;
	_ =	sdelay $0x3  }
0x1d: {  	v52 =	vld [tilespmem:$0x40]  }
0x1e: {  	[tilespmem:$0xA120] =	vst v0  }
0x1f: {  	v0 =	vld.idx.msk [tilespmem:v51+s11+$0x0], $0xffff;
	_ =	sdelay $0x3  }
0x20: {  	v53 =	vld [tilespmem:$0x50]  }
0x21: {  	[tilespmem:$0xA130] =	vst v0  }
0x22: {  	v0 =	vld.idx.msk [tilespmem:v52+s11+$0x0], $0xffff;
	_ =	sdelay $0x3  }
0x23: {  	v54 =	vld [tilespmem:$0x60]  }
0x24: {  	[tilespmem:$0xA140] =	vst v0  }
0x25: {  	v0 =	vld.idx.msk [tilespmem:v53+s11+$0x0], $0xffff;
	_ =	sdelay $0x3  }
0x26: {  	v55 =	vld [tilespmem:$0x70]  }
0x27: {  	[tilespmem:$0xA150] =	vst v0  }
0x28: {  	v0 =	vld.idx.msk [tilespmem:v54+s11+$0x0], $0xffff;
	_ =	sdelay $0x3  }
0x29: {  	v56 =	vld [tilespmem:$0x80]  }
0x2a: {  	[tilespmem:$0xA160] =	vst v0  }
0x2b: {  	v0 =	vld.idx.msk [tilespmem:v55+s11+$0x0], $0xffff;
	_ =	sdelay $0x3  }
0x2c: {  	v57 =	vld [tilespmem:$0x90]  }
0x2d: {  	[tilespmem:$0xA170] =	vst v0  }
0x2e: {  	v0 =	vld.idx.msk [tilespmem:v56+s11+$0x0], $0xffff;
	_ =	sdelay $0x3  }
0x2f: {  	v58 =	vld [tilespmem:$0xA0]  }
0x30: {  	[tilespmem:$0xA180] =	vst v0  }
0x31: {  	v0 =	vld.idx.msk [tilespmem:v57+s11+$0x0], $0xffff;
	_ =	sdelay $0x3  }
0x32: {  	v59 =	vld [tilespmem:$0xB0]  }
0x33: {  	[tilespmem:$0xA190] =	vst v0  }
0x34: {  	v0 =	vld.idx.msk [tilespmem:v58+s11+$0x0], $0xffff;
	_ =	sdelay $0x3  }
0x35: {  	v60 =	vld [tilespmem:$0xC0]  }
0x36: {  	[tilespmem:$0xA1A0] =	vst v0  }
0x37: {  	v0 =	vld.idx.msk [tilespmem:v59+s11+$0x0], $0xffff;
	_ =	sdelay $0x3  }
0x38: {  	v61 =	vld [tilespmem:$0xD0]  }
0x39: {  	[tilespmem:$0xA1B0] =	vst v0  }
0x3a: {  	v0 =	vld.idx.msk [tilespmem:v60+s11+$0x0], $0xffff;
	_ =	sdelay $0x3  }
0x3b: {  	v62 =	vld [tilespmem:$0xE0]  }
0x3c: {  	[tilespmem:$0xA1C0] =	vst v0  }
0x3d: {  	v0 =	vld.idx.msk [tilespmem:v61+s11+$0x0], $0xffff;
	_ =	sdelay $0x3  }
0x3e: {  	v63 =	vld [tilespmem:$0xF0]  }
0x3f: {  	[tilespmem:$0xA1D0] =	vst v0  }
0x40: {  	v0 =	vld.idx.msk [tilespmem:v62+s11+$0x0], $0xffff;
	_ =	sdelay $0x4  }
0x41: {  	[tilespmem:$0xA1E0] =	vst v0  }
0x42: {  	v0 =	vld.idx.msk [tilespmem:v63+s11+$0x0], $0xffff;
	_ =	sdelay $0x4  }
0x43: {  	s12 =	simm.s32 $0x1;
	[tilespmem:$0xA1F0] =	vst v0  }
0x44: {  	_ =	swait.ge [sflag:s12], $0x4000  }
0x45: {  	[sflag:s12] =	ssyncset.done $0x0  }
0x46: {  	s30 =	ssub.s32 $0x2, s13;
	s15 =	sshll.u32 s15, $0x4;
	[sflag:s12] =	ssyncadd.s32 $0xFFFFC000  }
0x47: {  	s31 =	sshrl.u32 s30, $0x1;
	s14 =	sadd.s32 s15, s14;
	_ =	swait.ge [sflag:s12], $0x4000  }
0x48: {  	s13 =	sadd.s32 $0x800, s14;
	s14 =	ssub.s32 s30, s31;
	[sflag:s12] =	ssyncset.done $0x0  }
0x49: {  	s15 =	smax.u32 s14, $0x1;
	[sflag:s12] =	ssyncadd.s32 $0xFFFFC000  }
0x4a: {  	[hbm4b:s13+s4] =	stream.linear.scatter [tilespmem:s9], [sflag:$0x2], $0x8000, $0x38;
	[tilespmem:$0xA200] =	vst v63  }
0x4b: {  	p0 =	sne.s32 s15, $0x1;
	_ =	swait.ge [sflag:s6], $0x8000  }
.Ltmp0:
0x4c: {  	[sflag:s6] =	ssyncset.done $0x0;
	(pc) =	sbr.rel @!p0 .LBB2_2-.Ltmp0, $4  }
0x4d: {  	s14 =	simm.s32 $0xA100;
	[sflag:s6] =	ssyncadd.s32 $0xFFFF8000  }
0x4e: {  	[hbm4b:s5+s4] =	stream.linear.scatter [tilespmem:s14], [sflag:$0x2], $0x100, $0x38;
	[tilespmem:$0xA200] =	vst v63  }
0x4f: {  	_ =	swait.ge [sflag:s6], $0x100  }
0x50: {  	s15 =	sadd.s32 $0xFFFFFFFF, s15;
	[sflag:s6] =	ssyncset.done $0x0  }
.LBB2_1:
0x51: {  	p0 =	sne.s32 s15, $0x1;
	s15 =	sadd.s32 $0xFFFFFFFF, s15;
	[sflag:s6] =	ssyncadd.s32 $0xFFFFFF00  }
0x52: {  	[tilespmem:s4], [sflag:$0x2] =	stream.linear.gather [hbm4b:s7+s4], $0x100, $0x38;
	[tilespmem:$0xA200] =	vst v63  }
0x53: {  	_ =	swait.ge [sflag:s6], $0x100  }
0x54: {  	[sflag:s6] =	ssyncset.done $0x0  }
0x55: {  	[sflag:s6] =	ssyncadd.s32 $0xFFFFFF00  }
0x56: {  	[tilespmem:s9], [sflag:$0x1] =	stream.indirect.gather [hbm4b:s1+s8], $0x80, s4, s8, $0xb8;
	[tilespmem:$0xA200] =	vst v63  }
0x57: {  	_ = 	snop  }
0x58: {  	[tilespmem:s10], [sflag:$0x1] =	stream.indirect.gather [hbm4b:s1+s8], $0x80, s8, s8, $0xb8;
	[tilespmem:$0xA200] =	vst v63  }
0x59: {  	_ = 	snop  }
0x5a: {  	[tilespmem:s11], [sflag:$0x2] =	stream.linear.gather [hbm4b:s3+s4], $0x2000, $0x38;
	[tilespmem:$0xA200] =	vst v63  }
0x5b: {  	_ =	swait.ge [sflag:s6], $0x2000  }
0x5c: {  	[sflag:s6] =	ssyncset.done $0x0  }
0x5d: {  	[sflag:s6] =	ssyncadd.s32 $0xFFFFE000  }
0x5e: {  	v0 =	vld [tilespmem:$0x0]  }
0x5f: {  	v1 =	vld [tilespmem:$0x10]  }
0x60: {  	v2 =	vld [tilespmem:$0x20]  }
0x61: {  	v3 =	vld [tilespmem:$0x30]  }
0x62: {  	v4 =	vld [tilespmem:$0x40]  }
0x63: {  	v5 =	vld [tilespmem:$0x50]  }
0x64: {  	v6 =	vld [tilespmem:$0x60]  }
0x65: {  	v7 =	vld [tilespmem:$0x70]  }
0x66: {  	v0 =	vld.idx.msk [tilespmem:v0+s11+$0x0], $0xffff  }
0x67: {  	v8 =	vld [tilespmem:$0x80]  }
0x68: {  	v9 =	vld [tilespmem:$0x90]  }
0x69: {  	v10 =	vld [tilespmem:$0xA0]  }
0x6a: {  	v11 =	vld [tilespmem:$0xB0]  }
0x6b: {  	v12 =	vld [tilespmem:$0xC0]  }
0x6c: {  	[tilespmem:$0xA100] =	vst v0;
	v0 =	vld [tilespmem:$0xD0]  }
0x6d: {  	v1 =	vld.idx.msk [tilespmem:v1+s11+$0x0], $0xffff  }
0x6e: {  	v13 =	vld [tilespmem:$0xE0]  }
0x6f: {  	v14 =	vld [tilespmem:$0xF0];
	_ =	sdelay $0x3  }
0x70: {  	[tilespmem:$0xA110] =	vst v1  }
0x71: {  	v1 =	vld.idx.msk [tilespmem:v2+s11+$0x0], $0xffff;
	_ =	sdelay $0x5  }
0x72: {  	[tilespmem:$0xA120] =	vst v1  }
0x73: {  	v1 =	vld.idx.msk [tilespmem:v3+s11+$0x0], $0xffff;
	_ =	sdelay $0x5  }
0x74: {  	[tilespmem:$0xA130] =	vst v1  }
0x75: {  	v1 =	vld.idx.msk [tilespmem:v4+s11+$0x0], $0xffff;
	_ =	sdelay $0x5  }
0x76: {  	[tilespmem:$0xA140] =	vst v1  }
0x77: {  	v1 =	vld.idx.msk [tilespmem:v5+s11+$0x0], $0xffff;
	_ =	sdelay $0x5  }
0x78: {  	[tilespmem:$0xA150] =	vst v1  }
0x79: {  	v1 =	vld.idx.msk [tilespmem:v6+s11+$0x0], $0xffff;
	_ =	sdelay $0x5  }
0x7a: {  	[tilespmem:$0xA160] =	vst v1  }
0x7b: {  	v1 =	vld.idx.msk [tilespmem:v7+s11+$0x0], $0xffff;
	_ =	sdelay $0x5  }
0x7c: {  	[tilespmem:$0xA170] =	vst v1  }
0x7d: {  	v1 =	vld.idx.msk [tilespmem:v8+s11+$0x0], $0xffff;
	_ =	sdelay $0x5  }
0x7e: {  	[tilespmem:$0xA180] =	vst v1  }
0x7f: {  	v1 =	vld.idx.msk [tilespmem:v9+s11+$0x0], $0xffff;
	_ =	sdelay $0x5  }
0x80: {  	[tilespmem:$0xA190] =	vst v1  }
0x81: {  	v1 =	vld.idx.msk [tilespmem:v10+s11+$0x0], $0xffff;
	_ =	sdelay $0x5  }
0x82: {  	[tilespmem:$0xA1A0] =	vst v1  }
0x83: {  	v1 =	vld.idx.msk [tilespmem:v11+s11+$0x0], $0xffff;
	_ =	sdelay $0x5  }
0x84: {  	[tilespmem:$0xA1B0] =	vst v1  }
0x85: {  	v1 =	vld.idx.msk [tilespmem:v12+s11+$0x0], $0xffff;
	_ =	sdelay $0x5  }
0x86: {  	[tilespmem:$0xA1C0] =	vst v1  }
0x87: {  	v0 =	vld.idx.msk [tilespmem:v0+s11+$0x0], $0xffff;
	_ =	sdelay $0x5  }
0x88: {  	[tilespmem:$0xA1D0] =	vst v0  }
0x89: {  	v0 =	vld.idx.msk [tilespmem:v13+s11+$0x0], $0xffff;
	_ =	sdelay $0x5  }
0x8a: {  	[tilespmem:$0xA1E0] =	vst v0  }
0x8b: {  	v0 =	vld.idx.msk [tilespmem:v14+s11+$0x0], $0xffff;
	_ =	sdelay $0x5  }
0x8c: {  	[tilespmem:$0xA1F0] =	vst v0  }
0x8d: {  	_ =	swait.ge [sflag:s12], $0x4000  }
0x8e: {  	[sflag:s12] =	ssyncset.done $0x0  }
0x8f: {  	[sflag:s12] =	ssyncadd.s32 $0xFFFFC000  }
0x90: {  	_ =	swait.ge [sflag:s12], $0x4000  }
0x91: {  	[sflag:s12] =	ssyncset.done $0x0  }
0x92: {  	[sflag:s12] =	ssyncadd.s32 $0xFFFFC000  }
0x93: {  	[hbm4b:s13+s4] =	stream.linear.scatter [tilespmem:s9], [sflag:$0x2], $0x8000, $0x38;
	[tilespmem:$0xA200] =	vst v63  }
0x94: {  	_ =	swait.ge [sflag:s6], $0x8000  }
.Ltmp1:
0x95: {  	[sflag:s6] =	ssyncset.done $0x0;
	(pc) =	sbr.rel @p0 .LBB2_1-.Ltmp1, $4  }
0x96: {  	[sflag:s6] =	ssyncadd.s32 $0xFFFF8000  }
0x97: {  	[hbm4b:s5+s4] =	stream.linear.scatter [tilespmem:s14], [sflag:$0x2], $0x100, $0x38;
	[tilespmem:$0xA200] =	vst v63  }
0x98: {  	_ =	swait.ge [sflag:s6], $0x100  }
0x99: {  	[sflag:s6] =	ssyncset.done $0x0  }
.LBB2_2:
0x9a: {  	[sflag:s6] =	ssyncadd.s32 $0xFFFFFF00  }
0x9b: {  	_ =	sfence.sel $0x180000  }
0x9c: {  	[bflag:$0x0] =	sbarrier.arrive $0xFFFF  }
0x9d: {  	p0 =	sne.s32 s0, $0x0;
	_ =	strace $0x90000047  }
0x9e: {  	s0 =	sadd.s32 @!p0 $0x100000, s2;
	[bflag:$0x2] =	sbarrier.arrive $0xFFFF  }
0x9f: {  	[sflag:s0] =	ssyncadd.tile.s32 @!p0 $0x1;
	_ =	shalt  }
.Lfunc_end2:
_tile_overlayer_lowered:
.L_overlay_start_2:
0xa0: {  	(tag) =	ssettag $0x2  }
0xa1: {  	s0 =	rddreg [dreg:$0x0];
	s2 =	stileid.u32  }
0xa2: {  	s1 =	rddreg [dreg:$0x1];
	p0 =	sne.s32 s2, $0x0  }
0xa3: {  	s3 =	rddreg [dreg:$0x2];
	[bflag:$0x3] =	sbarrier.arrive $0xFFFF;
	s2 =	simm.s32 @!p0 $0x1C02  }
0xa4: {  	[timem:s3], [sflag:s2] =	dma.local @!p0 [hbm:s0], s1  }
0xa5: {  	s0 =	simm.s32 @!p0 $0x2  }
0xa6: {  	_ =	swait.ge @!p0 [sflag:s0], s1  }
0xa7: {  	s1 =	ssub.s32 @!p0 $0x0, s1;
	[sflag:s0] =	ssyncset.done @!p0 $0x0  }
0xa8: {  	[sflag:s0] =	ssyncadd.s32 @!p0 s1  }
0xa9: {  	[bflag:$0x3] =	sbarrier.arrive $0xFFFF  }
0xaa: {  	_ =	shalt  }

// kernel: kernel.8.cloned.1.call-start
scs
__scs_entry_jumppad:
0x0: {  	(pc) =	sbr.rel $0x88, $3  }
0x1: {  	(tag) =	ssettag $0x0;
	lr =	simm.s32 $0x1  }
0x2: {  	[smem:$0x3F9C] =	sst lr;
	_ =	strace $0xD0000000  }
0x3: {  	_ = 	snop  }
0x4: {  	_ = 	snop  }
0x5: {  	_ = 	snop  }
0x6: {  	_ = 	snop  }
0x7: {  	_ = 	snop  }
__scs_overlays_trampoline_lowered:
0x8: {  	[smem:$0x3FAB] =	sst s0  }
0x9: {  	[smem:$0x3FAC] =	sst s1  }
0xa: {  	[smem:$0x3FAD] =	sst s2  }
0xb: {  	[smem:$0x3FAE] =	sst s3  }
0xc: {  	[smem:$0x3FAF] =	sst s4  }
0xd: {  	[smem:$0x3FB0] =	sst s5  }
0xe: {  	[smem:$0x3FB1] =	sst s6  }
0xf: {  	[smem:$0x3FB2] =	sst s7  }
0x10: {  	[smem:$0x3FB3] =	sst s8  }
0x11: {  	[smem:$0x3FB4] =	sst s9;
	s0 =	simm.s32 @!p0 $0x0  }
0x12: {  	s1 =	sld [smem:$0x3F9A];
	s0 =	simm.s32 @p0 $0x1  }
0x13: {  	[smem:$0x3FB5] =	sst s0;
	s0 =	simm.s32 @!p1 $0x0  }
0x14: {  	s2 =	sld [smem:$0x3F99];
	s0 =	simm.s32 @p1 $0x1  }
0x15: {  	[smem:$0x3FB6] =	sst s0;
	s0 =	simm.s32 @!p2 $0x0  }
0x16: {  	s3 =	sld [smem:$0x3FDB];
	s0 =	simm.s32 @p2 $0x1  }
0x17: {  	s4 =	simm.s32 $0x1BF5;
	[smem:$0x3FB8] =	sst s0  }
0x18: {  	s0 =	sld [smem:$0x3F9B];
	_ =	swait.ge [sflag:s4], $0x0  }
0x19: {  	s7 =	sld [smem:$0x3F9C]  }
0x1a: {  	s8 =	sadd.s32 $0xFFFFE003, lr  }
0x1b: {  	s9 =	sadd.s32 $0xFFFFFEF7, lr;
	s5 =	simm.s32 $0xFFFFFFFF;
	p2 =	slt.u32 s8, $0xFFFFF086  }
0x1c: {  	p1 =	slt.u32 s9, $0xF7A;
	s5 =	simm.s32 @!p2 $0x0  }
0x1d: {  	s5 =	simm.s32 @p1 $0x1;
	p0 =	seq.s32 s7, s2  }
0x1e: {  	s7 =	smul.u32 @!p0 $0xF7A, s2;
	p2 =	seq.s32 @!p0 s5, $0x0  }
0x1f: {  	s9 =	smul.u32 $0xF7A, s1;
	s8 =	simm.s32 @!p0 $0x1BF5;
	p2 =	por !p2, p0  }
0x20: {  	[sflag:s8] =	ssyncset.s32 @!p0 $0xFFFFF086;
	s6 =	sadd.s32 @!p0 s3, s7;
	s7 =	simm.s32 @!p0 $0x108  }
0x21: {  	s3 =	sadd.s32 s3, s9;
	s6 =	sadd.s32 @!p0 $0x88, s6;
	s7 =	simm.s32 @p2 $0x1082  }
0x22: {  	[simem:s7], [sflag:s8] =	dma.local @!p0 [hbm:s6], $0xF7A  }
0x23: {  	s9 =	sor.u32 $0xD0000000, s2;
	s6 =	simm.s32 $0x108;
	_ =	swait.ge @!p0 [sflag:s8], $0x0  }
0x24: {  	s3 =	sadd.s32 $0x88, s3;
	s6 =	simm.s32 @!p1 $0x1082;
	[sflag:s4] =	ssyncset.s32 $0xFFFFF086  }
0x25: {  	[simem:s6], [sflag:s4] =	dma.local [hbm:s3], $0xF7A  }
0x26: {  	[smem:$0x3F9C] =	sst s1;
	(tag) =	ssettag s2;
	_ =	strace s9  }
0x27: {  	s1 =	sld [smem:$0x3FAC]  }
0x28: {  	s2 =	sld [smem:$0x3FAD]  }
0x29: {  	s4 =	sld [smem:$0x3FAF]  }
0x2a: {  	p0 =	seq.s32 s5, $0x0;
	s5 =	sld [smem:$0x3FB0]  }
0x2b: {  	s6 =	sld [smem:$0x3FB1]  }
0x2c: {  	s7 =	sld [smem:$0x3FB2]  }
0x2d: {  	s3 =	simm.s32 $0x108;
	s8 =	sld [smem:$0x3FB3]  }
0x2e: {  	s3 =	simm.s32 @!p0 $0x1082;
	s9 =	sld [smem:$0x3FB4]  }
0x2f: {  	lr =	sadd.s32 s0, s3;
	s0 =	sld [smem:$0x3FAB]  }
0x30: {  	s3 =	sld [smem:$0x3FAE]  }
0x31: {  	[smem:$0x3FB7] =	sst s10  }
0x32: {  	s10 =	sld [smem:$0x3FB5];
	_ =	sdelay $0x3  }
0x33: {  	p0 =	seq.s32 s10, $0x1;
	s10 =	sld [smem:$0x3FB7];
	_ =	sdelay $0x3  }
0x34: {  	[smem:$0x3FB7] =	sst s10  }
0x35: {  	s10 =	sld [smem:$0x3FB6];
	_ =	sdelay $0x3  }
0x36: {  	p1 =	seq.s32 s10, $0x1;
	s10 =	sld [smem:$0x3FB7];
	_ =	sdelay $0x3  }
0x37: {  	[smem:$0x3FB7] =	sst s10  }
0x38: {  	s10 =	sld [smem:$0x3FB8]  }
0x39: {  	_ = 	snop;
	(pc) =	sbr.ind lr, $3  }
0x3a: {  	_ = 	snop  }
0x3b: {  	_ = 	snop  }
0x3c: {  	p2 =	seq.s32 s10, $0x1;
	s10 =	sld [smem:$0x3FB7]  }
0x3d: {  	_ =	shalt  }
0x3e: {  	_ =	shalt  }
0x3f: {  	_ =	shalt  }
0x40: {  	_ =	shalt  }
0x41: {  	_ =	shalt  }
0x42: {  	_ =	shalt  }
0x43: {  	_ =	shalt  }
0x44: {  	_ =	shalt  }
0x45: {  	_ =	shalt  }
0x46: {  	_ =	shalt  }
0x47: {  	_ =	shalt  }
0x48: {  	_ =	shalt  }
0x49: {  	_ =	shalt  }
0x4a: {  	_ =	shalt  }
0x4b: {  	_ =	shalt  }
0x4c: {  	_ =	shalt  }
0x4d: {  	_ =	shalt  }
0x4e: {  	_ =	shalt  }
0x4f: {  	_ =	shalt  }
0x50: {  	_ =	shalt  }
0x51: {  	_ =	shalt  }
0x52: {  	_ =	shalt  }
0x53: {  	_ =	shalt  }
0x54: {  	_ =	shalt  }
0x55: {  	_ =	shalt  }
0x56: {  	_ =	shalt  }
0x57: {  	_ =	shalt  }
0x58: {  	_ =	shalt  }
0x59: {  	_ =	shalt  }
0x5a: {  	_ =	shalt  }
0x5b: {  	_ =	shalt  }
0x5c: {  	_ =	shalt  }
0x5d: {  	_ =	shalt  }
0x5e: {  	_ =	shalt  }
0x5f: {  	_ =	shalt  }
0x60: {  	_ =	shalt  }
0x61: {  	_ =	shalt  }
0x62: {  	_ =	shalt  }
0x63: {  	_ =	shalt  }
0x64: {  	_ =	shalt  }
0x65: {  	_ =	shalt  }
0x66: {  	_ =	shalt  }
0x67: {  	_ =	shalt  }
0x68: {  	_ =	shalt  }
0x69: {  	_ =	shalt  }
0x6a: {  	_ =	shalt  }
0x6b: {  	_ =	shalt  }
0x6c: {  	_ =	shalt  }
0x6d: {  	_ =	shalt  }
0x6e: {  	_ =	shalt  }
0x6f: {  	_ =	shalt  }
0x70: {  	_ =	shalt  }
0x71: {  	_ =	shalt  }
0x72: {  	_ =	shalt  }
0x73: {  	_ =	shalt  }
0x74: {  	_ =	shalt  }
0x75: {  	_ =	shalt  }
0x76: {  	_ =	shalt  }
0x77: {  	_ =	shalt  }
0x78: {  	_ =	shalt  }
0x79: {  	_ =	shalt  }
0x7a: {  	_ =	shalt  }
0x7b: {  	_ =	shalt  }
0x7c: {  	_ =	shalt  }
0x7d: {  	_ =	shalt  }
0x7e: {  	_ =	shalt  }
0x7f: {  	_ =	shalt  }
0x80: {  	_ =	shalt  }
0x81: {  	_ =	shalt  }
0x82: {  	_ =	shalt  }
0x83: {  	_ =	shalt  }
0x84: {  	_ =	shalt  }
0x85: {  	_ =	shalt  }
0x86: {  	_ =	shalt  }
0x87: {  	_ =	shalt  }
.Lfunc_end0:
.L_simem_size_0:
called_computation.1_lowered:
.L_overlay_start_0:
0x88: {  	s2 =	sld [smem:$0x3FD9]  }
0x89: {  	s3 =	sld [smem:$0x3FFE];
	_ =	sdelay $0x1  }
0x8a: {  	s1 =	srdreg.scid  }
0x8b: {  	s0 =	sand.u32 $0x1, s1  }
0x8c: {  	s17 =	sshll.u32 s0, $0xA;
	s2 =	sadd.s32 s3, s2  }
0x8d: {  	s2 =	sadd.s32 s2, s17  }
0x8e: {  	[smem:$0x3FC3] =	sst s2  }
0x8f: {  	_ = 	snop  }
0x90: {  	s2 =	sld [smem:$0x3FD0];
	(tm) =	ssettm $0x1  }
0x91: {  	s18 =	sld [smem:$0x3FFB];
	_ =	sdelay $0x3  }
0x92: {  	_ =	strace s18  }
0x93: {  	s3 =	sld [smem:$0x3FFC];
	_ =	sdelay $0x3  }
0x94: {  	_ =	strace s3  }
0x95: {  	s3 =	sld [smem:$0x3FFD];
	_ =	sdelay $0x3  }
0x96: {  	_ =	strace s3  }
0x97: {  	_ =	strace $0x8FFFFFFF  }
0x98: {  	s19 =	sld [smem:$0x3FDB];
	_ =	sdelay $0x1  }
0x99: {  	s4 =	simm.s32 $_scs_section_size  }
0x9a: {  	s5 =	simm.s32 $_size__tile_overlayer_lowered;
	s6 =	simm.s32 $_tile_overlayer_lowered  }
0x9b: {  	s22 =	simm.s32 $0x1BFF;
	s21 =	sshll.u32 s6, $0x1;
	s3 =	sadd.s32 s4, s19  }
0x9c: {  	s7 =	simm.s32 $0x0;
	s20 =	sshll.u32 s5, $0x1;
	s5 =	sadd.s32 s21, s3  }
0x9d: {  	[timem:s7], [sflag:s22] =	dma.local [hbm:s5], s20  }
0x9e: {  	_ =	swait.ge [sflag:s22], s20  }
0x9f: {  	s4 =	ssub.s32 $0x0, s20;
	[sflag:s22] =	ssyncset.done $0x0  }
0xa0: {  	[sflag:s22] =	ssyncadd.s32 s4;
	_ =	sdelay $0x1  }
0xa1: {  	s23 =	simm.s32 $0x1B8B  }
0xa2: {  	_ =	swait.ge [sflag:s23], $0x1  }
0xa3: {  	[sflag:s23] =	ssyncset.done $0x0  }
0xa4: {  	s25 =	simm.s32 $0x1B8E;
	s24 =	sld [smem:$0x3FFE];
	[sflag:s23] =	ssyncadd.s32 $0xFFFFFFFF  }
0xa5: {  	s26 =	simm.s32 $execute0_lowered;
	[smem:$0x3FD2] =	sst s25  }
0xa6: {  	s5 =	sshll.u32 s26, $0x1;
	_ =	strace $0x80000049;
	[dreg:$0x1] =	wrdreg $0xFFFFFFFF  }
0xa7: {  	s28 =	simm.s32 $_size_execute0_lowered;
	s3 =	sadd.s32 s3, s5;
	[dreg:$0x0] =	wrdreg $0x0  }
0xa8: {  	s5 =	sshll.u32 s28, $0x1;
	[dreg:$0x2] =	wrdreg s3  }
0xa9: {  	[dreg:$0x3] =	wrdreg s5  }
0xaa: {  	[dreg:$0x4] =	wrdreg $0xC0  }
0xab: {  	_ =	task [dreg:s7], $0x5FFFF  }
0xac: {  	[dreg:$0x1] =	wrdreg $0xFFFFFFFF  }
0xad: {  	[dreg:$0x0] =	wrdreg $0x60  }
0xae: {  	[dreg:$0x2] =	wrdreg s24  }
0xaf: {  	[dreg:$0x3] =	wrdreg s2  }
0xb0: {  	[dreg:$0x4] =	wrdreg $0x9  }
0xb1: {  	_ =	task.clear_ibuf [dreg:s7], $0x5FFFF;
	_ =	strace $0x90000049  }
0xb2: {  	s29 =	simm.s32 $0x9;
	_ =	strace $0x8000004B  }
0xb3: {  	_ =	swait.ge [sflag:s29], $0x1  }
0xb4: {  	[sflag:s29] =	ssyncadd.s32 $0xFFFFFFFF  }
0xb5: {  	_ =	strace $0x9000004B  }
0xb6: {  	_ =	sfence  }
0xb7: {  	s30 =	sld [smem:$0x0];
	_ =	sdelay $0x2  }
0xb8: {  	s31 =	sshll.u32 s1, $0xD;
	s1 =	sshrl.u32 s1, $0x2  }
0xb9: {  	s3 =	sand.u32 $0x4000, s31;
	s1 =	sadd.s32 s1, s30  }
0xba: {  	s0 =	sor.u32 s3, s0;
	s1 =	sshll.u32 s1, $0x11  }
0xbb: {  	s0 =	sor.u32 s1, s0  }
0xbc: {  	s0 =	sadd.s32 $0x8F2B, s0  }
0xbd: {  	[sflag:s0] =	ssyncadd.remote.s32 $0x1  }
0xbe: {  	_ =	sfence.sel $0xFFFF  }
0xbf: {  	[dreg:$0x0] =	wrdreg $0xFFFFFFFF;
	(pc) =	sbr.abs _section_cstart, $3  }
0xc0: {  	[dreg:$0x1] =	wrdreg $0xFFFFFFFF  }
0xc1: {  	_ =	task.clear_ibuf [dreg:s7], $0x2FFFF;
	_ =	strace $0x9FFFFFFF  }
0xc2: {  	(tm) =	ssettm $0x7FFFFFFF  }
0xc3: {  	_ =	shalt  }
tec
execute0_lowered:
.L_overlay_start_1:
0x0: {  	(tag) =	ssettag $0x1  }
0x1: {  	s1 =	rddreg [dreg:$0x0]  }
0x2: {  	s5 =	rddreg [dreg:$0x1]  }
0x3: {  	s0 =	rddreg [dreg:$0x2]  }
0x4: {  	s3 =	simm.s32 $0x0;
	s4 =	srdreg.scid;
	s2 =	stileid.u32  }
0x5: {  	s10 =	simm.s32 $0x2080;
	s11 =	simm.s32 $0x1;
	s4 =	sand.u32 $0x1, s4  }
0x6: {  	[smem:$0x7FF] =	sst s3;
	s7 =	sshll.u32 s2, $0x7;
	s6 =	ssub.s32 $0x2, s4  }
0x7: {  	_ =	strace $0x8000004A;
	s8 =	sshll.u32 s4, $0x6;
	s9 =	sshrl.u32 s6, $0x1  }
0x8: {  	s4 =	sadd.s32 $0x400, s1;
	s7 =	sor.u32 s8, s7;
	s6 =	ssub.s32 s6, s9  }
0x9: {  	v3 =	vlaneseq.u32;
	v4 =	vimm.s32 $0x1000;
	v5 =	vimm.s32 $0x1001;
	s8 =	sor.u32 $0x10, s7;
	s30 =	sshll.u32 s7, $0x4;
	s31 =	sor.u32 $0x20, s7  }
0xa: {  	v6 =	vimm.s32 $0x2000;
	v7 =	vimm.s32 $0x1800;
	v0 =	vor.u32 s7, v3;
	s7 =	sor.u32 $0x30, s7;
	s9 =	simm.s32 $0x2000;
	s5 =	sadd.s32 s5, s30  }
0xb: {  	v1 =	vor.u32 s8, v3;
	v2 =	vor.u32 s31, v3;
	v3 =	vor.u32 s7, v3;
	s6 =	smax.u32 s6, $0x1;
	s7 =	simm.s32 $0x2;
	s8 =	simm.s32 $0x40  }
.LBB2_1:
0xc: {  	[tilespmem:s3], [sflag:$0x2] =	stream.linear.gather [hbm4b:s1+s3], $0x2000, $0x38;
	[tilespmem:$0x4080] =	vst v63  }
0xd: {  	_ =	swait.ge [sflag:s7], $0x2000  }
0xe: {  	[sflag:s7] =	ssyncset.done $0x0  }
0xf: {  	[sflag:s7] =	ssyncadd.s32 $0xFFFFE000  }
0x10: {  	v8 =	vld.idx.msk [tilespmem:v4+s3+$0x0], $0xffff;
	_ =	sdelay $0x4  }
0x11: {  	vm0 =	vgt.s32 v8, v0  }
0x12: {  	v8 =	vsel vm0, $0x800, v7;
	_ =	sdelay $0x4  }
0x13: {  	v9 =	vld.idx.msk [tilespmem:v8+s3+$0x0], $0xffff;
	_ =	sdelay $0x4  }
0x14: {  	v10 =	vsel vm0, $0x1000, v6;
	vm1 =	vgt.s32 v9, v0  }
0x15: {  	v23 =	vsel vm0, $0x0, v5;
	v11 =	vor.u32 $0x1, v8;
	v8 =	vsel vm1, v8, v10  }
0x16: {  	v9 =	vsel vm1, v23, v11;
	v10 =	vadd.s32 $0xFFFFFFFF, v8  }
0x17: {  	v11 =	vxor.u32 v10, v9  }
0x18: {  	v10 =	vor.u32 v10, v9;
	v11 =	vshrl.u32 v11, $0x1  }
0x19: {  	v10 =	vsub.s32 v10, v11;
	_ =	sdelay $0x4  }
0x1a: {  	v11 =	vld.idx.msk [tilespmem:v10+s3+$0x0], $0xffff;
	_ =	sdelay $0x4  }
0x1b: {  	vm11 =	vlt.u32 v9, v8;
	vm12 =	vle.s32 v11, v0;
	vm2 =	vgt.s32 v11, v0  }
0x1c: {  	v24 =	vor.u32 $0x1, v10;
	vm1 =	vmand vm12, vm11;
	vm0 =	vmand vm2, vm11  }
0x1d: {  	v9 =	vsel vm1, v24, v9;
	v8 =	vsel vm0, v10, v8  }
0x1e: {  	v10 =	vxor.u32 v8, v9  }
0x1f: {  	v11 =	vand.u32 v8, v9;
	v10 =	vshrl.u32 v10, $0x1  }
0x20: {  	v10 =	vadd.s32 v10, v11;
	_ =	sdelay $0x4  }
0x21: {  	v11 =	vld.idx.msk [tilespmem:v10+s3+$0x0], $0xffff;
	_ =	sdelay $0x4  }
0x22: {  	vm0 =	vlt.u32 v9, v8;
	vm13 =	vle.s32 v11, v0;
	vm14 =	vgt.s32 v11, v0  }
0x23: {  	v25 =	vadd.s32 $0x1, v10;
	vm1 =	vmand vm13, vm0;
	vm0 =	vmand vm14, vm0  }
0x24: {  	v9 =	vsel vm1, v25, v9;
	v8 =	vsel vm0, v10, v8  }
0x25: {  	v10 =	vadd.s32 v8, v9  }
0x26: {  	v10 =	vshrl.u32 v10, $0x1;
	_ =	sdelay $0x4  }
0x27: {  	v26 =	vld.idx.msk [tilespmem:v10+s3+$0x0], $0xffff;
	_ =	sdelay $0x4  }
0x28: {  	vm0 =	vlt.u32 v9, v8;
	vm15 =	vle.s32 v26, v0;
	vm4 =	vgt.s32 v26, v0  }
0x29: {  	v27 =	vadd.s32 $0x1, v10;
	vm1 =	vmand vm15, vm0;
	vm0 =	vmand vm4, vm0  }
0x2a: {  	v9 =	vsel vm1, v27, v9;
	v8 =	vsel vm0, v10, v8  }
0x2b: {  	v10 =	vadd.s32 v8, v9  }
0x2c: {  	v10 =	vshrl.u32 v10, $0x1;
	_ =	sdelay $0x4  }
0x2d: {  	v28 =	vld.idx.msk [tilespmem:v10+s3+$0x0], $0xffff;
	_ =	sdelay $0x4  }
0x2e: {  	vm0 =	vlt.u32 v9, v8;
	vm5 =	vle.s32 v28, v0;
	vm6 =	vgt.s32 v28, v0  }
0x2f: {  	v29 =	vadd.s32 $0x1, v10;
	vm1 =	vmand vm5, vm0;
	vm0 =	vmand vm6, vm0  }
0x30: {  	v9 =	vsel vm1, v29, v9;
	v8 =	vsel vm0, v10, v8  }
0x31: {  	v10 =	vadd.s32 v8, v9  }
0x32: {  	v10 =	vshrl.u32 v10, $0x1;
	_ =	sdelay $0x4  }
0x33: {  	v30 =	vld.idx.msk [tilespmem:v10+s3+$0x0], $0xffff;
	_ =	sdelay $0x4  }
0x34: {  	vm0 =	vlt.u32 v9, v8;
	vm7 =	vle.s32 v30, v0;
	vm8 =	vgt.s32 v30, v0  }
0x35: {  	v31 =	vadd.s32 $0x1, v10;
	vm1 =	vmand vm7, vm0;
	vm0 =	vmand vm8, vm0  }
0x36: {  	v9 =	vsel vm1, v31, v9;
	v8 =	vsel vm0, v10, v8  }
0x37: {  	v10 =	vadd.s32 v8, v9  }
0x38: {  	v10 =	vshrl.u32 v10, $0x1;
	_ =	sdelay $0x4  }
0x39: {  	v32 =	vld.idx.msk [tilespmem:v10+s3+$0x0], $0xffff;
	_ =	sdelay $0x4  }
0x3a: {  	vm0 =	vlt.u32 v9, v8;
	vm9 =	vle.s32 v32, v0;
	vm10 =	vgt.s32 v32, v0  }
0x3b: {  	v33 =	vadd.s32 $0x1, v10;
	vm1 =	vmand vm9, vm0;
	vm0 =	vmand vm10, vm0  }
0x3c: {  	v9 =	vsel vm1, v33, v9;
	v8 =	vsel vm0, v10, v8  }
0x3d: {  	v10 =	vadd.s32 v8, v9  }
0x3e: {  	v10 =	vshrl.u32 v10, $0x1;
	_ =	sdelay $0x4  }
0x3f: {  	v34 =	vld.idx.msk [tilespmem:v10+s3+$0x0], $0xffff;
	_ =	sdelay $0x4  }
0x40: {  	vm0 =	vlt.u32 v9, v8;
	vm11 =	vle.s32 v34, v0;
	vm12 =	vgt.s32 v34, v0  }
0x41: {  	v35 =	vadd.s32 $0x1, v10;
	vm1 =	vmand vm11, vm0;
	vm0 =	vmand vm12, vm0  }
0x42: {  	v9 =	vsel vm1, v35, v9;
	v8 =	vsel vm0, v10, v8  }
0x43: {  	v10 =	vadd.s32 v8, v9  }
0x44: {  	v10 =	vshrl.u32 v10, $0x1;
	_ =	sdelay $0x4  }
0x45: {  	v36 =	vld.idx.msk [tilespmem:v10+s3+$0x0], $0xffff;
	_ =	sdelay $0x4  }
0x46: {  	vm0 =	vlt.u32 v9, v8;
	vm13 =	vle.s32 v36, v0;
	vm14 =	vgt.s32 v36, v0  }
0x47: {  	v37 =	vadd.s32 $0x1, v10;
	vm1 =	vmand vm13, vm0;
	vm0 =	vmand vm14, vm0  }
0x48: {  	v9 =	vsel vm1, v37, v9;
	v8 =	vsel vm0, v10, v8  }
0x49: {  	v10 =	vadd.s32 v8, v9  }
0x4a: {  	v10 =	vshrl.u32 v10, $0x1;
	_ =	sdelay $0x4  }
0x4b: {  	v38 =	vld.idx.msk [tilespmem:v10+s3+$0x0], $0xffff;
	_ =	sdelay $0x4  }
0x4c: {  	vm0 =	vlt.u32 v9, v8;
	vm15 =	vle.s32 v38, v0;
	vm4 =	vgt.s32 v38, v0  }
0x4d: {  	v39 =	vadd.s32 $0x1, v10;
	vm1 =	vmand vm15, vm0;
	vm0 =	vmand vm4, vm0  }
0x4e: {  	v9 =	vsel vm1, v39, v9;
	v8 =	vsel vm0, v10, v8  }
0x4f: {  	v10 =	vadd.s32 v8, v9  }
0x50: {  	v10 =	vshrl.u32 v10, $0x1;
	_ =	sdelay $0x4  }
0x51: {  	v40 =	vld.idx.msk [tilespmem:v10+s3+$0x0], $0xffff;
	_ =	sdelay $0x4  }
0x52: {  	vm0 =	vlt.u32 v9, v8;
	vm5 =	vle.s32 v40, v0;
	vm6 =	vgt.s32 v40, v0  }
0x53: {  	v41 =	vadd.s32 $0x1, v10;
	vm1 =	vmand vm5, vm0;
	vm0 =	vmand vm6, vm0  }
0x54: {  	v9 =	vsel vm1, v41, v9;
	v8 =	vsel vm0, v10, v8  }
0x55: {  	v10 =	vadd.s32 v8, v9  }
0x56: {  	v10 =	vshrl.u32 v10, $0x1;
	_ =	sdelay $0x4  }
0x57: {  	v42 =	vld.idx.msk [tilespmem:v10+s3+$0x0], $0xffff;
	_ =	sdelay $0x4  }
0x58: {  	vm0 =	vlt.u32 v9, v8;
	vm7 =	vle.s32 v42, v0  }
0x59: {  	v8 =	vadd.s32 $0xFFFFFFFF, v9;
	vm0 =	vmand vm7, vm0  }
0x5a: {  	v8 =	vsel vm0, v10, v8  }
0x5b: {  	vm0 =	vgt.s32 v8, $0x0  }
0x5c: {  	v43 =	vnsel vm0, $0x0, v8;
	_ =	sdelay $0x4  }
0x5d: {  	v9 =	vld.idx.msk [tilespmem:v43+s3+$0x0], $0xffff;
	_ =	sdelay $0x4  }
0x5e: {  	vm8 =	vgt.s32 v8, $0xFFFFFFFF;
	vm9 =	veq.s32 v9, v0  }
0x5f: {  	vm0 =	vmand vm9, vm8  }
0x60: {  	v8 =	vnsel vm0, $0x2000, v8  }
0x61: {  	[tilespmem:$0x2000] =	vst v8  }
0x62: {  	v8 =	vld.idx.msk [tilespmem:v4+s3+$0x0], $0xffff;
	_ =	sdelay $0x4  }
0x63: {  	vm10 =	vgt.s32 v8, v1  }
0x64: {  	v8 =	vsel vm10, $0x800, v7;
	_ =	sdelay $0x4  }
0x65: {  	v44 =	vld.idx.msk [tilespmem:v8+s3+$0x0], $0xffff;
	_ =	sdelay $0x4  }
0x66: {  	v45 =	vsel vm10, $0x1000, v6;
	vm11 =	vgt.s32 v44, v1  }
0x67: {  	v46 =	vsel vm10, $0x0, v5;
	v47 =	vor.u32 $0x1, v8;
	v8 =	vsel vm11, v8, v45  }
0x68: {  	v9 =	vsel vm11, v46, v47;
	v10 =	vadd.s32 $0xFFFFFFFF, v8  }
0x69: {  	v11 =	vxor.u32 v10, v9  }
0x6a: {  	v10 =	vor.u32 v10, v9;
	v11 =	vshrl.u32 v11, $0x1  }
0x6b: {  	v10 =	vsub.s32 v10, v11;
	_ =	sdelay $0x4  }
0x6c: {  	v11 =	vld.idx.msk [tilespmem:v10+s3+$0x0], $0xffff;
	_ =	sdelay $0x4  }
0x6d: {  	vm12 =	vlt.u32 v9, v8;
	vm13 =	vle.s32 v11, v1;
	vm14 =	vgt.s32 v11, v1  }
0x6e: {  	v48 =	vor.u32 $0x1, v10;
	vm1 =	vmand vm13, vm12;
	vm0 =	vmand vm14, vm12  }
0x6f: {  	v9 =	vsel vm1, v48, v9;
	v8 =	vsel vm0, v10, v8  }
0x70: {  	v10 =	vxor.u32 v8, v9  }
0x71: {  	v11 =	vand.u32 v8, v9;
	v10 =	vshrl.u32 v10, $0x1  }
0x72: {  	v10 =	vadd.s32 v10, v11;
	_ =	sdelay $0x4  }
0x73: {  	v11 =	vld.idx.msk [tilespmem:v10+s3+$0x0], $0xffff;
	_ =	sdelay $0x4  }
0x74: {  	vm0 =	vlt.u32 v9, v8;
	vm15 =	vle.s32 v11, v1;
	vm4 =	vgt.s32 v11, v1  }
0x75: {  	v49 =	vadd.s32 $0x1, v10;
	vm1 =	vmand vm15, vm0;
	vm0 =	vmand vm4, vm0  }
0x76: {  	v9 =	vsel vm1, v49, v9;
	v8 =	vsel vm0, v10, v8  }
0x77: {  	v10 =	vadd.s32 v8, v9  }
0x78: {  	v10 =	vshrl.u32 v10, $0x1;
	_ =	sdelay $0x4  }
0x79: {  	v50 =	vld.idx.msk [tilespmem:v10+s3+$0x0], $0xffff;
	_ =	sdelay $0x4  }
0x7a: {  	vm0 =	vlt.u32 v9, v8;
	vm5 =	vle.s32 v50, v1;
	vm6 =	vgt.s32 v50, v1  }
0x7b: {  	v51 =	vadd.s32 $0x1, v10;
	vm1 =	vmand vm5, vm0;
	vm0 =	vmand vm6, vm0  }
0x7c: {  	v9 =	vsel vm1, v51, v9;
	v8 =	vsel vm0, v10, v8  }
0x7d: {  	v10 =	vadd.s32 v8, v9  }
0x7e: {  	v10 =	vshrl.u32 v10, $0x1;
	_ =	sdelay $0x4  }
0x7f: {  	v52 =	vld.idx.msk [tilespmem:v10+s3+$0x0], $0xffff;
	_ =	sdelay $0x4  }
0x80: {  	vm0 =	vlt.u32 v9, v8;
	vm7 =	vle.s32 v52, v1;
	vm8 =	vgt.s32 v52, v1  }
0x81: {  	v53 =	vadd.s32 $0x1, v10;
	vm1 =	vmand vm7, vm0;
	vm0 =	vmand vm8, vm0  }
0x82: {  	v9 =	vsel vm1, v53, v9;
	v8 =	vsel vm0, v10, v8  }
0x83: {  	v10 =	vadd.s32 v8, v9  }
0x84: {  	v10 =	vshrl.u32 v10, $0x1;
	_ =	sdelay $0x4  }
0x85: {  	v54 =	vld.idx.msk [tilespmem:v10+s3+$0x0], $0xffff;
	_ =	sdelay $0x4  }
0x86: {  	vm0 =	vlt.u32 v9, v8;
	vm9 =	vle.s32 v54, v1;
	vm10 =	vgt.s32 v54, v1  }
0x87: {  	v55 =	vadd.s32 $0x1, v10;
	vm1 =	vmand vm9, vm0;
	vm0 =	vmand vm10, vm0  }
0x88: {  	v9 =	vsel vm1, v55, v9;
	v8 =	vsel vm0, v10, v8  }
0x89: {  	v10 =	vadd.s32 v8, v9  }
0x8a: {  	v10 =	vshrl.u32 v10, $0x1;
	_ =	sdelay $0x4  }
0x8b: {  	v56 =	vld.idx.msk [tilespmem:v10+s3+$0x0], $0xffff;
	_ =	sdelay $0x4  }
0x8c: {  	vm0 =	vlt.u32 v9, v8;
	vm11 =	vle.s32 v56, v1;
	vm12 =	vgt.s32 v56, v1  }
0x8d: {  	v57 =	vadd.s32 $0x1, v10;
	vm1 =	vmand vm11, vm0;
	vm0 =	vmand vm12, vm0  }
0x8e: {  	v9 =	vsel vm1, v57, v9;
	v8 =	vsel vm0, v10, v8  }
0x8f: {  	v10 =	vadd.s32 v8, v9  }
0x90: {  	v10 =	vshrl.u32 v10, $0x1;
	_ =	sdelay $0x4  }
0x91: {  	v58 =	vld.idx.msk [tilespmem:v10+s3+$0x0], $0xffff;
	_ =	sdelay $0x4  }
0x92: {  	vm0 =	vlt.u32 v9, v8;
	vm13 =	vle.s32 v58, v1;
	vm14 =	vgt.s32 v58, v1  }
0x93: {  	v59 =	vadd.s32 $0x1, v10;
	vm1 =	vmand vm13, vm0;
	vm0 =	vmand vm14, vm0  }
0x94: {  	v9 =	vsel vm1, v59, v9;
	v8 =	vsel vm0, v10, v8  }
0x95: {  	v10 =	vadd.s32 v8, v9  }
0x96: {  	v10 =	vshrl.u32 v10, $0x1;
	_ =	sdelay $0x4  }
0x97: {  	v60 =	vld.idx.msk [tilespmem:v10+s3+$0x0], $0xffff;
	_ =	sdelay $0x4  }
0x98: {  	vm0 =	vlt.u32 v9, v8;
	vm15 =	vle.s32 v60, v1;
	vm4 =	vgt.s32 v60, v1  }
0x99: {  	v61 =	vadd.s32 $0x1, v10;
	vm1 =	vmand vm15, vm0;
	vm0 =	vmand vm4, vm0  }
0x9a: {  	v9 =	vsel vm1, v61, v9;
	v8 =	vsel vm0, v10, v8  }
0x9b: {  	v10 =	vadd.s32 v8, v9  }
0x9c: {  	v10 =	vshrl.u32 v10, $0x1;
	_ =	sdelay $0x4  }
0x9d: {  	v62 =	vld.idx.msk [tilespmem:v10+s3+$0x0], $0xffff;
	_ =	sdelay $0x4  }
0x9e: {  	vm0 =	vlt.u32 v9, v8;
	vm5 =	vle.s32 v62, v1;
	vm6 =	vgt.s32 v62, v1  }
0x9f: {  	v63 =	vadd.s32 $0x1, v10;
	vm1 =	vmand vm5, vm0;
	vm0 =	vmand vm6, vm0  }
0xa0: {  	v9 =	vsel vm1, v63, v9;
	v8 =	vsel vm0, v10, v8  }
0xa1: {  	v10 =	vadd.s32 v8, v9  }
0xa2: {  	v10 =	vshrl.u32 v10, $0x1;
	_ =	sdelay $0x4  }
0xa3: {  	v12 =	vld.idx.msk [tilespmem:v10+s3+$0x0], $0xffff;
	_ =	sdelay $0x4  }
0xa4: {  	vm0 =	vlt.u32 v9, v8;
	vm7 =	vle.s32 v12, v1;
	vm8 =	vgt.s32 v12, v1  }
0xa5: {  	v13 =	vadd.s32 $0x1, v10;
	vm1 =	vmand vm7, vm0;
	vm0 =	vmand vm8, vm0  }
0xa6: {  	v9 =	vsel vm1, v13, v9;
	v8 =	vsel vm0, v10, v8  }
0xa7: {  	v10 =	vadd.s32 v8, v9  }
0xa8: {  	v10 =	vshrl.u32 v10, $0x1;
	_ =	sdelay $0x4  }
0xa9: {  	v14 =	vld.idx.msk [tilespmem:v10+s3+$0x0], $0xffff;
	_ =	sdelay $0x4  }
0xaa: {  	vm0 =	vlt.u32 v9, v8;
	vm9 =	vle.s32 v14, v1  }
0xab: {  	v8 =	vadd.s32 $0xFFFFFFFF, v9;
	vm0 =	vmand vm9, vm0  }
0xac: {  	v8 =	vsel vm0, v10, v8  }
0xad: {  	vm0 =	vgt.s32 v8, $0x0  }
0xae: {  	v15 =	vnsel vm0, $0x0, v8;
	_ =	sdelay $0x4  }
0xaf: {  	v9 =	vld.idx.msk [tilespmem:v15+s3+$0x0], $0xffff;
	_ =	sdelay $0x4  }
0xb0: {  	vm10 =	vgt.s32 v8, $0xFFFFFFFF;
	vm11 =	veq.s32 v9, v1  }
0xb1: {  	vm0 =	vmand vm11, vm10  }
0xb2: {  	v8 =	vnsel vm0, $0x2000, v8  }
0xb3: {  	[tilespmem:$0x2010] =	vst v8  }
0xb4: {  	v8 =	vld.idx.msk [tilespmem:v4+s3+$0x0], $0xffff;
	_ =	sdelay $0x4  }
0xb5: {  	vm12 =	vgt.s32 v8, v2  }
0xb6: {  	v8 =	vsel vm12, $0x800, v7;
	_ =	sdelay $0x4  }
0xb7: {  	v16 =	vld.idx.msk [tilespmem:v8+s3+$0x0], $0xffff;
	_ =	sdelay $0x4  }
0xb8: {  	v17 =	vsel vm12, $0x1000, v6;
	vm13 =	vgt.s32 v16, v2  }
0xb9: {  	v18 =	vsel vm12, $0x0, v5;
	v19 =	vor.u32 $0x1, v8;
	v8 =	vsel vm13, v8, v17  }
0xba: {  	v9 =	vsel vm13, v18, v19;
	v10 =	vadd.s32 $0xFFFFFFFF, v8  }
0xbb: {  	v11 =	vxor.u32 v10, v9  }
0xbc: {  	v10 =	vor.u32 v10, v9;
	v11 =	vshrl.u32 v11, $0x1  }
0xbd: {  	v10 =	vsub.s32 v10, v11;
	_ =	sdelay $0x4  }
0xbe: {  	v11 =	vld.idx.msk [tilespmem:v10+s3+$0x0], $0xffff;
	_ =	sdelay $0x4  }
0xbf: {  	vm14 =	vlt.u32 v9, v8;
	vm15 =	vle.s32 v11, v2;
	vm4 =	vgt.s32 v11, v2  }
0xc0: {  	v20 =	vor.u32 $0x1, v10;
	vm1 =	vmand vm15, vm14;
	vm0 =	vmand vm4, vm14  }
0xc1: {  	v9 =	vsel vm1, v20, v9;
	v8 =	vsel vm0, v10, v8  }
0xc2: {  	v10 =	vxor.u32 v8, v9  }
0xc3: {  	v11 =	vand.u32 v8, v9;
	v10 =	vshrl.u32 v10, $0x1  }
0xc4: {  	v10 =	vadd.s32 v10, v11;
	_ =	sdelay $0x4  }
0xc5: {  	v11 =	vld.idx.msk [tilespmem:v10+s3+$0x0], $0xffff;
	_ =	sdelay $0x4  }
0xc6: {  	vm0 =	vlt.u32 v9, v8;
	vm5 =	vle.s32 v11, v2;
	vm6 =	vgt.s32 v11, v2  }
0xc7: {  	v21 =	vadd.s32 $0x1, v10;
	vm1 =	vmand vm5, vm0;
	vm0 =	vmand vm6, vm0  }
0xc8: {  	v9 =	vsel vm1, v21, v9;
	v8 =	vsel vm0, v10, v8  }
0xc9: {  	v10 =	vadd.s32 v8, v9  }
0xca: {  	v10 =	vshrl.u32 v10, $0x1;
	_ =	sdelay $0x4  }
0xcb: {  	v22 =	vld.idx.msk [tilespmem:v10+s3+$0x0], $0xffff;
	_ =	sdelay $0x4  }
0xcc: {  	vm0 =	vlt.u32 v9, v8;
	vm7 =	vle.s32 v22, v2;
	vm8 =	vgt.s32 v22, v2  }
0xcd: {  	v23 =	vadd.s32 $0x1, v10;
	vm1 =	vmand vm7, vm0;
	vm0 =	vmand vm8, vm0  }
0xce: {  	v9 =	vsel vm1, v23, v9;
	v8 =	vsel vm0, v10, v8  }
0xcf: {  	v10 =	vadd.s32 v8, v9  }
0xd0: {  	v10 =	vshrl.u32 v10, $0x1;
	_ =	sdelay $0x4  }
0xd1: {  	v24 =	vld.idx.msk [tilespmem:v10+s3+$0x0], $0xffff;
	_ =	sdelay $0x4  }
0xd2: {  	vm0 =	vlt.u32 v9, v8;
	vm9 =	vle.s32 v24, v2;
	vm10 =	vgt.s32 v24, v2  }
0xd3: {  	v25 =	vadd.s32 $0x1, v10;
	vm1 =	vmand vm9, vm0;
	vm0 =	vmand vm10, vm0  }
0xd4: {  	v9 =	vsel vm1, v25, v9;
	v8 =	vsel vm0, v10, v8  }
0xd5: {  	v10 =	vadd.s32 v8, v9  }
0xd6: {  	v10 =	vshrl.u32 v10, $0x1;
	_ =	sdelay $0x4  }
0xd7: {  	v26 =	vld.idx.msk [tilespmem:v10+s3+$0x0], $0xffff;
	_ =	sdelay $0x4  }
0xd8: {  	vm0 =	vlt.u32 v9, v8;
	vm11 =	vle.s32 v26, v2;
	vm12 =	vgt.s32 v26, v2  }
0xd9: {  	v27 =	vadd.s32 $0x1, v10;
	vm1 =	vmand vm11, vm0;
	vm0 =	vmand vm12, vm0  }
0xda: {  	v9 =	vsel vm1, v27, v9;
	v8 =	vsel vm0, v10, v8  }
0xdb: {  	v10 =	vadd.s32 v8, v9  }
0xdc: {  	v10 =	vshrl.u32 v10, $0x1;
	_ =	sdelay $0x4  }
0xdd: {  	v28 =	vld.idx.msk [tilespmem:v10+s3+$0x0], $0xffff;
	_ =	sdelay $0x4  }
0xde: {  	vm0 =	vlt.u32 v9, v8;
	vm13 =	vle.s32 v28, v2;
	vm14 =	vgt.s32 v28, v2  }
0xdf: {  	v29 =	vadd.s32 $0x1, v10;
	vm1 =	vmand vm13, vm0;
	vm0 =	vmand vm14, vm0  }
0xe0: {  	v9 =	vsel vm1, v29, v9;
	v8 =	vsel vm0, v10, v8  }
0xe1: {  	v10 =	vadd.s32 v8, v9  }
0xe2: {  	v10 =	vshrl.u32 v10, $0x1;
	_ =	sdelay $0x4  }
0xe3: {  	v30 =	vld.idx.msk [tilespmem:v10+s3+$0x0], $0xffff;
	_ =	sdelay $0x4  }
0xe4: {  	vm0 =	vlt.u32 v9, v8;
	vm15 =	vle.s32 v30, v2;
	vm4 =	vgt.s32 v30, v2  }
0xe5: {  	v31 =	vadd.s32 $0x1, v10;
	vm1 =	vmand vm15, vm0;
	vm0 =	vmand vm4, vm0  }
0xe6: {  	v9 =	vsel vm1, v31, v9;
	v8 =	vsel vm0, v10, v8  }
0xe7: {  	v10 =	vadd.s32 v8, v9  }
0xe8: {  	v10 =	vshrl.u32 v10, $0x1;
	_ =	sdelay $0x4  }
0xe9: {  	v32 =	vld.idx.msk [tilespmem:v10+s3+$0x0], $0xffff;
	_ =	sdelay $0x4  }
0xea: {  	vm0 =	vlt.u32 v9, v8;
	vm5 =	vle.s32 v32, v2;
	vm6 =	vgt.s32 v32, v2  }
0xeb: {  	v33 =	vadd.s32 $0x1, v10;
	vm1 =	vmand vm5, vm0;
	vm0 =	vmand vm6, vm0  }
0xec: {  	v9 =	vsel vm1, v33, v9;
	v8 =	vsel vm0, v10, v8  }
0xed: {  	v10 =	vadd.s32 v8, v9  }
0xee: {  	v10 =	vshrl.u32 v10, $0x1;
	_ =	sdelay $0x4  }
0xef: {  	v34 =	vld.idx.msk [tilespmem:v10+s3+$0x0], $0xffff;
	_ =	sdelay $0x4  }
0xf0: {  	vm0 =	vlt.u32 v9, v8;
	vm7 =	vle.s32 v34, v2;
	vm8 =	vgt.s32 v34, v2  }
0xf1: {  	v35 =	vadd.s32 $0x1, v10;
	vm1 =	vmand vm7, vm0;
	vm0 =	vmand vm8, vm0  }
0xf2: {  	v9 =	vsel vm1, v35, v9;
	v8 =	vsel vm0, v10, v8  }
0xf3: {  	v10 =	vadd.s32 v8, v9  }
0xf4: {  	v10 =	vshrl.u32 v10, $0x1;
	_ =	sdelay $0x4  }
0xf5: {  	v36 =	vld.idx.msk [tilespmem:v10+s3+$0x0], $0xffff;
	_ =	sdelay $0x4  }
0xf6: {  	vm0 =	vlt.u32 v9, v8;
	vm9 =	vle.s32 v36, v2;
	vm10 =	vgt.s32 v36, v2  }
0xf7: {  	v37 =	vadd.s32 $0x1, v10;
	vm1 =	vmand vm9, vm0;
	vm0 =	vmand vm10, vm0  }
0xf8: {  	v9 =	vsel vm1, v37, v9;
	v8 =	vsel vm0, v10, v8  }
0xf9: {  	v10 =	vadd.s32 v8, v9  }
0xfa: {  	v10 =	vshrl.u32 v10, $0x1;
	_ =	sdelay $0x4  }
0xfb: {  	v38 =	vld.idx.msk [tilespmem:v10+s3+$0x0], $0xffff;
	_ =	sdelay $0x4  }
0xfc: {  	vm0 =	vlt.u32 v9, v8;
	vm11 =	vle.s32 v38, v2  }
0xfd: {  	v8 =	vadd.s32 $0xFFFFFFFF, v9;
	vm0 =	vmand vm11, vm0  }
0xfe: {  	v8 =	vsel vm0, v10, v8  }
0xff: {  	vm0 =	vgt.s32 v8, $0x0  }
0x100: {  	v39 =	vnsel vm0, $0x0, v8;
	_ =	sdelay $0x4  }
0x101: {  	v9 =	vld.idx.msk [tilespmem:v39+s3+$0x0], $0xffff;
	_ =	sdelay $0x4  }
0x102: {  	vm12 =	vgt.s32 v8, $0xFFFFFFFF;
	vm13 =	veq.s32 v9, v2  }
0x103: {  	vm0 =	vmand vm13, vm12  }
0x104: {  	v8 =	vnsel vm0, $0x2000, v8  }
0x105: {  	[tilespmem:$0x2020] =	vst v8  }
0x106: {  	v8 =	vld.idx.msk [tilespmem:v4+s3+$0x0], $0xffff;
	_ =	sdelay $0x4  }
0x107: {  	vm14 =	vgt.s32 v8, v3  }
0x108: {  	v8 =	vsel vm14, $0x800, v7;
	_ =	sdelay $0x4  }
0x109: {  	v40 =	vld.idx.msk [tilespmem:v8+s3+$0x0], $0xffff;
	_ =	sdelay $0x4  }
0x10a: {  	v41 =	vsel vm14, $0x1000, v6;
	vm15 =	vgt.s32 v40, v3  }
0x10b: {  	v42 =	vsel vm14, $0x0, v5;
	v43 =	vor.u32 $0x1, v8;
	v8 =	vsel vm15, v8, v41  }
0x10c: {  	v9 =	vsel vm15, v42, v43;
	v10 =	vadd.s32 $0xFFFFFFFF, v8  }
0x10d: {  	v11 =	vxor.u32 v10, v9  }
0x10e: {  	v10 =	vor.u32 v10, v9;
	v11 =	vshrl.u32 v11, $0x1  }
0x10f: {  	v10 =	vsub.s32 v10, v11;
	_ =	sdelay $0x4  }
0x110: {  	v11 =	vld.idx.msk [tilespmem:v10+s3+$0x0], $0xffff;
	_ =	sdelay $0x4  }
0x111: {  	vm4 =	vlt.u32 v9, v8;
	vm5 =	vle.s32 v11, v3;
	vm6 =	vgt.s32 v11, v3  }
0x112: {  	v44 =	vor.u32 $0x1, v10;
	vm1 =	vmand vm5, vm4;
	vm0 =	vmand vm6, vm4  }
0x113: {  	v9 =	vsel vm1, v44, v9;
	v8 =	vsel vm0, v10, v8  }
0x114: {  	v10 =	vxor.u32 v8, v9  }
0x115: {  	v11 =	vand.u32 v8, v9;
	v10 =	vshrl.u32 v10, $0x1  }
0x116: {  	v10 =	vadd.s32 v10, v11;
	_ =	sdelay $0x4  }
0x117: {  	v11 =	vld.idx.msk [tilespmem:v10+s3+$0x0], $0xffff;
	_ =	sdelay $0x4  }
0x118: {  	vm0 =	vlt.u32 v9, v8;
	vm7 =	vle.s32 v11, v3;
	vm8 =	vgt.s32 v11, v3  }
0x119: {  	v45 =	vadd.s32 $0x1, v10;
	vm1 =	vmand vm7, vm0;
	vm0 =	vmand vm8, vm0  }
0x11a: {  	v9 =	vsel vm1, v45, v9;
	v8 =	vsel vm0, v10, v8  }
0x11b: {  	v10 =	vadd.s32 v8, v9  }
0x11c: {  	v10 =	vshrl.u32 v10, $0x1;
	_ =	sdelay $0x4  }
0x11d: {  	v46 =	vld.idx.msk [tilespmem:v10+s3+$0x0], $0xffff;
	_ =	sdelay $0x4  }
0x11e: {  	vm0 =	vlt.u32 v9, v8;
	vm9 =	vle.s32 v46, v3;
	vm10 =	vgt.s32 v46, v3  }
0x11f: {  	v47 =	vadd.s32 $0x1, v10;
	vm1 =	vmand vm9, vm0;
	vm0 =	vmand vm10, vm0  }
0x120: {  	v9 =	vsel vm1, v47, v9;
	v8 =	vsel vm0, v10, v8  }
0x121: {  	v10 =	vadd.s32 v8, v9  }
0x122: {  	v10 =	vshrl.u32 v10, $0x1;
	_ =	sdelay $0x4  }
0x123: {  	v48 =	vld.idx.msk [tilespmem:v10+s3+$0x0], $0xffff;
	_ =	sdelay $0x4  }
0x124: {  	vm0 =	vlt.u32 v9, v8;
	vm11 =	vle.s32 v48, v3;
	vm12 =	vgt.s32 v48, v3  }
0x125: {  	v49 =	vadd.s32 $0x1, v10;
	vm1 =	vmand vm11, vm0;
	vm0 =	vmand vm12, vm0  }
0x126: {  	v9 =	vsel vm1, v49, v9;
	v8 =	vsel vm0, v10, v8  }
0x127: {  	v10 =	vadd.s32 v8, v9  }
0x128: {  	v10 =	vshrl.u32 v10, $0x1;
	_ =	sdelay $0x4  }
0x129: {  	v50 =	vld.idx.msk [tilespmem:v10+s3+$0x0], $0xffff;
	_ =	sdelay $0x4  }
0x12a: {  	vm0 =	vlt.u32 v9, v8;
	vm13 =	vle.s32 v50, v3;
	vm14 =	vgt.s32 v50, v3  }
0x12b: {  	v51 =	vadd.s32 $0x1, v10;
	vm1 =	vmand vm13, vm0;
	vm0 =	vmand vm14, vm0  }
0x12c: {  	v9 =	vsel vm1, v51, v9;
	v8 =	vsel vm0, v10, v8  }
0x12d: {  	v10 =	vadd.s32 v8, v9  }
0x12e: {  	v10 =	vshrl.u32 v10, $0x1;
	_ =	sdelay $0x4  }
0x12f: {  	v52 =	vld.idx.msk [tilespmem:v10+s3+$0x0], $0xffff;
	_ =	sdelay $0x4  }
0x130: {  	vm0 =	vlt.u32 v9, v8;
	vm15 =	vle.s32 v52, v3;
	vm4 =	vgt.s32 v52, v3  }
0x131: {  	v53 =	vadd.s32 $0x1, v10;
	vm1 =	vmand vm15, vm0;
	vm0 =	vmand vm4, vm0  }
0x132: {  	v9 =	vsel vm1, v53, v9;
	v8 =	vsel vm0, v10, v8  }
0x133: {  	v10 =	vadd.s32 v8, v9  }
0x134: {  	v10 =	vshrl.u32 v10, $0x1;
	_ =	sdelay $0x4  }
0x135: {  	v54 =	vld.idx.msk [tilespmem:v10+s3+$0x0], $0xffff;
	_ =	sdelay $0x4  }
0x136: {  	vm0 =	vlt.u32 v9, v8;
	vm5 =	vle.s32 v54, v3;
	vm6 =	vgt.s32 v54, v3  }
0x137: {  	v55 =	vadd.s32 $0x1, v10;
	vm1 =	vmand vm5, vm0;
	vm0 =	vmand vm6, vm0  }
0x138: {  	v9 =	vsel vm1, v55, v9;
	v8 =	vsel vm0, v10, v8  }
0x139: {  	v10 =	vadd.s32 v8, v9  }
0x13a: {  	v10 =	vshrl.u32 v10, $0x1;
	_ =	sdelay $0x4  }
0x13b: {  	v56 =	vld.idx.msk [tilespmem:v10+s3+$0x0], $0xffff;
	_ =	sdelay $0x4  }
0x13c: {  	vm0 =	vlt.u32 v9, v8;
	vm7 =	vle.s32 v56, v3;
	vm8 =	vgt.s32 v56, v3  }
0x13d: {  	v57 =	vadd.s32 $0x1, v10;
	vm1 =	vmand vm7, vm0;
	vm0 =	vmand vm8, vm0  }
0x13e: {  	v9 =	vsel vm1, v57, v9;
	v8 =	vsel vm0, v10, v8  }
0x13f: {  	v10 =	vadd.s32 v8, v9  }
0x140: {  	v10 =	vshrl.u32 v10, $0x1;
	_ =	sdelay $0x4  }
0x141: {  	v58 =	vld.idx.msk [tilespmem:v10+s3+$0x0], $0xffff;
	_ =	sdelay $0x4  }
0x142: {  	vm0 =	vlt.u32 v9, v8;
	vm9 =	vle.s32 v58, v3;
	vm10 =	vgt.s32 v58, v3  }
0x143: {  	v59 =	vadd.s32 $0x1, v10;
	vm1 =	vmand vm9, vm0;
	vm0 =	vmand vm10, vm0  }
0x144: {  	v9 =	vsel vm1, v59, v9;
	v8 =	vsel vm0, v10, v8  }
0x145: {  	v10 =	vadd.s32 v8, v9  }
0x146: {  	v10 =	vshrl.u32 v10, $0x1;
	_ =	sdelay $0x4  }
0x147: {  	v60 =	vld.idx.msk [tilespmem:v10+s3+$0x0], $0xffff;
	_ =	sdelay $0x4  }
0x148: {  	vm0 =	vlt.u32 v9, v8;
	vm11 =	vle.s32 v60, v3;
	vm12 =	vgt.s32 v60, v3  }
0x149: {  	v61 =	vadd.s32 $0x1, v10;
	vm1 =	vmand vm11, vm0;
	vm0 =	vmand vm12, vm0  }
0x14a: {  	v9 =	vsel vm1, v61, v9;
	v8 =	vsel vm0, v10, v8  }
0x14b: {  	v10 =	vadd.s32 v8, v9  }
0x14c: {  	v10 =	vshrl.u32 v10, $0x1;
	_ =	sdelay $0x4  }
0x14d: {  	v62 =	vld.idx.msk [tilespmem:v10+s3+$0x0], $0xffff;
	_ =	sdelay $0x4  }
0x14e: {  	vm0 =	vlt.u32 v9, v8;
	vm13 =	vle.s32 v62, v3  }
0x14f: {  	v8 =	vadd.s32 $0xFFFFFFFF, v9;
	vm0 =	vmand vm13, vm0  }
0x150: {  	v8 =	vsel vm0, v10, v8  }
0x151: {  	vm0 =	vgt.s32 v8, $0x0  }
0x152: {  	v63 =	vnsel vm0, $0x0, v8;
	_ =	sdelay $0x4  }
0x153: {  	v9 =	vld.idx.msk [tilespmem:v63+s3+$0x0], $0xffff;
	_ =	sdelay $0x4  }
0x154: {  	vm14 =	vgt.s32 v8, $0xFFFFFFFF;
	vm15 =	veq.s32 v9, v3  }
0x155: {  	vm0 =	vmand vm15, vm14  }
0x156: {  	v8 =	vnsel vm0, $0x2000, v8  }
0x157: {  	[tilespmem:$0x2030] =	vst v8  }
0x158: {  	[tilespmem:s10], [sflag:$0x1] =	stream.indirect.gather [hbm4b:s4+s8], $0x80, s9, s8, $0xb8;
	[tilespmem:$0x4080] =	vst v63  }
0x159: {  	_ =	swait.ge [sflag:s11], $0x2000  }
0x15a: {  	p0 =	sne.s32 s6, $0x1;
	[sflag:s11] =	ssyncset.done $0x0  }
.Ltmp0:
0x15b: {  	[sflag:s11] =	ssyncadd.s32 $0xFFFFE000;
	(pc) =	sbr.rel @p0 .LBB2_1-.Ltmp0, $4  }
0x15c: {  	[hbm4b:s5+s3] =	stream.linear.scatter [tilespmem:s10], [sflag:$0x2], $0x2000, $0x38;
	[tilespmem:$0x4080] =	vst v63  }
0x15d: {  	_ =	swait.ge [sflag:s7], $0x2000  }
0x15e: {  	[sflag:s7] =	ssyncset.done $0x0  }
0x15f: {  	s6 =	sadd.s32 $0xFFFFFFFF, s6;
	[sflag:s7] =	ssyncadd.s32 $0xFFFFE000  }
0x160: {  	_ =	sfence.sel $0x180000  }
0x161: {  	[bflag:$0x0] =	sbarrier.arrive $0xFFFF  }
0x162: {  	p0 =	sne.s32 s2, $0x0;
	_ =	strace $0x9000004A  }
0x163: {  	s0 =	sadd.s32 @!p0 $0x100000, s0;
	[bflag:$0x2] =	sbarrier.arrive $0xFFFF  }
0x164: {  	[sflag:s0] =	ssyncadd.tile.s32 @!p0 $0x1;
	_ =	shalt  }
.Lfunc_end2:
_tile_overlayer_lowered:
.L_overlay_start_2:
0x165: {  	(tag) =	ssettag $0x2  }
0x166: {  	s0 =	rddreg [dreg:$0x0];
	s2 =	stileid.u32  }
0x167: {  	s1 =	rddreg [dreg:$0x1];
	p0 =	sne.s32 s2, $0x0  }
0x168: {  	s3 =	rddreg [dreg:$0x2];
	[bflag:$0x3] =	sbarrier.arrive $0xFFFF;
	s2 =	simm.s32 @!p0 $0x1C02  }
0x169: {  	[timem:s3], [sflag:s2] =	dma.local @!p0 [hbm:s0], s1  }
0x16a: {  	s0 =	simm.s32 @!p0 $0x2  }
0x16b: {  	_ =	swait.ge @!p0 [sflag:s0], s1  }
0x16c: {  	s1 =	ssub.s32 @!p0 $0x0, s1;
	[sflag:s0] =	ssyncset.done @!p0 $0x0  }
0x16d: {  	[sflag:s0] =	ssyncadd.s32 @!p0 s1  }
0x16e: {  	[bflag:$0x3] =	sbarrier.arrive $0xFFFF  }
0x16f: {  	_ =	shalt  }

</sc_bundles>
